<compile_context>
chip_gen: v7x
topology: tpu7x:2x2x1
jax: 0.10.2.dev20260603
libtpu: 0.0.44.dev20260713+nightly
codegen_flags: <defaults>
</compile_context>

<pallas_src>
import functools

import jax
import jax.numpy as jnp
from jax import lax
from jax.experimental import pallas as pl
from jax.experimental.pallas import tpu as pltpu
from jax.experimental.pallas import tpu_sc as plsc

N_TOK = 16384
K_DIM = 50
DIM = 32
SCALE = 10.0

NC = 2
NS = 16
NW = NC * NS

CHUNK = 128
N_UNITS = N_TOK * K_DIM // CHUNK
U_PER_W = N_UNITS // NW
NB = N_TOK // CHUNK


@jax.jit
def _scaled_embedding(idx_lin, table):
    mesh = plsc.VectorSubcoreMesh(core_axis_name="c", subcore_axis_name="s")

    @functools.partial(
        pl.kernel,
        mesh=mesh,
        out_type=jax.ShapeDtypeStruct((K_DIM, 4, NB, 8, CHUNK), jnp.float32),
        scratch_types=[
            pltpu.VMEM((U_PER_W, CHUNK), jnp.int32),
            pltpu.VMEM((2, CHUNK, DIM), jnp.float32),
            pltpu.VMEM((2, CHUNK * (DIM + 1)), jnp.float32),
            pltpu.VMEM((2, 4, 8, CHUNK), jnp.float32),
            pltpu.SemaphoreType.DMA,
            pltpu.SemaphoreType.DMA,
            pltpu.SemaphoreType.DMA,
            pltpu.SemaphoreType.DMA,
        ],
        compiler_params=pltpu.CompilerParams(
            use_tc_tiling_on_sc=False, needs_layout_passes=False
        ),
    )
    def k(idx_hbm, table_hbm, out_hbm, idx_v, gbuf, sbuf, tbuf, sg0, sg1, ss0, ss1):
        wid = lax.axis_index("s") * NC + lax.axis_index("c")
        sem_g = (sg0, sg1)
        sem_s = (ss0, ss1)
        u0 = wid * U_PER_W
        pltpu.sync_copy(idx_hbm.at[pl.ds(u0, U_PER_W)], idx_v)

        def fire_gather(j, b):
            pltpu.async_copy(table_hbm.at[idx_v.at[j]], gbuf.at[b], sem_g[b])

        def drain_gather(b):
            pltpu.make_async_copy(
                table_hbm.at[idx_v.at[0]], gbuf.at[b], sem_g[b]
            ).wait()

        def fire_out(j, b):
            u = u0 + j
            kk = lax.shift_right_logical(u, 7)
            nb = lax.bitwise_and(u, NB - 1)
            for tr in range(4):
                pltpu.async_copy(
                    tbuf.at[b, tr], out_hbm.at[kk, tr, nb], sem_s[b]
                )

        def drain_out(b):
            for tr in range(4):
                pltpu.make_async_copy(
                    tbuf.at[b, tr], out_hbm.at[0, tr, 0], sem_s[b]
                ).wait()

        iota = lax.iota(jnp.int32, 16)
        SK = DIM + 1
        skew_base = [(iota + 16 * g) * SK for g in range(8)]

        def transpose_scale(b):
            @plsc.parallel_loop(0, CHUNK, unroll=8)
            def rloop(n):
                base = n * SK
                sbuf[b, pl.ds(base, 16)] = gbuf[b, n, 0:16]
                sbuf[b, pl.ds(base + 16, 16)] = gbuf[b, n, 16:32]

            @plsc.parallel_loop(0, DIM, unroll=4)
            def dloop(d):
                tr = lax.shift_right_logical(d, 3)
                a = lax.bitwise_and(d, 7)
                for g in range(8):
                    vals = plsc.load_gather(sbuf.at[b], [skew_base[g] + d])
                    tbuf[b, tr, a, pl.ds(g * 16, 16)] = vals * SCALE

        def step(j, b):
            drain_gather(b)

            @pl.when(jnp.logical_and(j >= 1, j < U_PER_W - 1))
            def _():
                drain_out(1 - b)

            @pl.when(j < U_PER_W - 1)
            def _():
                fire_gather(j + 1, 1 - b)

            transpose_scale(b)
            fire_out(j, b)

        fire_gather(0, 0)

        def pair(i, carry):
            step(2 * i, 0)
            step(2 * i + 1, 1)
            return carry

        lax.fori_loop(0, U_PER_W // 2, pair, 0)
        drain_out(0)
        drain_out(1)

    return k(idx_lin, table)


def kernel(inputs, table):
    idx_lin = inputs.T.reshape(N_UNITS, CHUNK).astype(jnp.int32)
    out5 = _scaled_embedding(idx_lin, table)
    return out5.transpose(2, 4, 0, 1, 3).reshape(N_TOK, K_DIM, DIM)

# --- scband reference (transcript-rebuilt; emitter-appended) ---
"""Pipeline reference for scband-scaled-embedding-83734682403182 (READ-ONLY COPY).

The authoritative reference and input builder live on the scoring server;
editing this copy changes nothing except your own understanding.
"""

import jax, jax.numpy as jnp
import numpy as np

NUM_EMBEDDINGS = 1000000
EMBEDDING_DIM = 32
SCALE = 10.0

def setup_inputs(seed: int = 0) -> dict:
    key = jax.random.key(seed)
    k_idx, k_tab = jax.random.split(key)
    inputs = jax.random.randint(k_idx, (16384, 50), 0, NUM_EMBEDDINGS, dtype=jnp.int64 if jax.config.jax_enable_x64 else jnp.int32)
    # Embedding table as initialized by build(): random init divided by scale
    table = (jax.random.normal(k_tab, (NUM_EMBEDDINGS, EMBEDDING_DIM), dtype=jnp.float32) * 0.05) / SCALE
    return {"inputs": inputs, "table": table}

def reference(inputs, table):
    # ScaledEmbedding.call: out = embedding(inputs) * scale
    out = jnp.take(table, inputs, axis=0) * SCALE
    return out

if __name__ == "__main__":
    import jax
    _d = setup_inputs()
    print(jax.jit(kernel)(*tuple(_d.values())))

</pallas_src>

<mosaic_0001>
#map = affine_map<(d0, d1) -> (0, 0)>
#map1 = affine_map<(d0, d1) -> (0, 0, 0, 0, 0)>
module attributes {stable_mosaic.version = 14 : i64} {
  func.func @k(%arg0: i32, %arg1: i32, %arg2: memref<6400x128xi32, #tpu.memory_space<hbm>>, %arg3: memref<1000000x32xf32, #tpu.memory_space<hbm>>, %arg4: memref<50x4x128x8x128xf32, #tpu.memory_space<hbm>>, %arg5: memref<200x128xi32, #tpu.memory_space<vmem>>, %arg6: memref<2x128x32xf32, #tpu.memory_space<vmem>>, %arg7: memref<2x4224xf32, #tpu.memory_space<vmem>>, %arg8: memref<2x4x8x128xf32, #tpu.memory_space<vmem>>, %arg9: memref<!tpu.dma_semaphore, #tpu.memory_space<semaphore_mem>>, %arg10: memref<!tpu.dma_semaphore, #tpu.memory_space<semaphore_mem>>, %arg11: memref<!tpu.dma_semaphore, #tpu.memory_space<semaphore_mem>>, %arg12: memref<!tpu.dma_semaphore, #tpu.memory_space<semaphore_mem>>) attributes {dimension_semantics = [#tpu.dimension_semantics<core_parallel>, #tpu.dimension_semantics<subcore_parallel>], iteration_bounds = array<i64: 2, 16>, scalar_prefetch = 0 : i64, scratch_operands = 8 : i64, tpu.core_type = #tpu.core_type<sc_vector_subcore>, window_params = [{transform_indices = #map}, {transform_indices = #map}, {transform_indices = #map1}]} {
    %mul3A = arith.constant 2 : i32
    %mul3A_0 = arith.muli %arg1, %mul3A : i32
    %add3A = arith.addi %mul3A_0, %arg0 : i32
    %mul3A_1 = arith.constant 200 : i32
    %mul3A_2 = arith.muli %add3A, %mul3A_1 : i32
    "tpu.region"() ({
      %run_scoped3A = tpu.sem_alloc : memref<!tpu.dma_semaphore, #tpu.memory_space<semaphore_mem>>
      %dma_start3A_234 = arith.constant 0 : i32
      %dma_start3A_235 = tpu.memref_slice %arg2[%mul3A_2, %dma_start3A_234] : memref<6400x128xi32, #tpu.memory_space<hbm>> -> memref<200x128xi32, #tpu.memory_space<hbm>>
      %dma_start3A_236 = arith.constant 0 : i32
      %dma_start3A_237 = tpu.memref_slice %arg2[%mul3A_2, %dma_start3A_236] : memref<6400x128xi32, #tpu.memory_space<hbm>> -> memref<200x128xi32, #tpu.memory_space<hbm>>
      tpu.enqueue_dma source(%dma_start3A_237 : memref<200x128xi32, #tpu.memory_space<hbm>>) target(%arg5 : memref<200x128xi32, #tpu.memory_space<vmem>>) target_semaphore(%run_scoped3A : memref<!tpu.dma_semaphore, #tpu.memory_space<semaphore_mem>>)
      %dma_wait3A_238 = arith.constant 0 : i32
      %dma_wait3A_239 = tpu.memref_slice %arg2[%mul3A_2, %dma_wait3A_238] : memref<6400x128xi32, #tpu.memory_space<hbm>> -> memref<200x128xi32, #tpu.memory_space<hbm>>
      %dma_wait3A_240 = arith.constant 0 : i32
      %dma_wait3A_241 = tpu.memref_slice %arg2[%mul3A_2, %dma_wait3A_240] : memref<6400x128xi32, #tpu.memory_space<hbm>> -> memref<200x128xi32, #tpu.memory_space<hbm>>
      tpu.wait_dma2 semaphore(%run_scoped3A : memref<!tpu.dma_semaphore, #tpu.memory_space<semaphore_mem>>) src(%dma_wait3A_241 : memref<200x128xi32, #tpu.memory_space<hbm>>) dst(%arg5 : memref<200x128xi32, #tpu.memory_space<vmem>>)
      tpu.yield
    }) : () -> ()
    %iota3A = tpu.iota {dimensions = array<i32: 0>} : vector<16xi32>
    %add3A_3 = arith.constant 0 : i32
    %add3A_4 = vector.broadcast %add3A_3 : i32 to vector<16xi32>
    %add3A_5 = arith.addi %iota3A, %add3A_4 : vector<16xi32>
    %mul3A_6 = arith.constant 33 : i32
    %mul3A_7 = vector.broadcast %mul3A_6 : i32 to vector<16xi32>
    %mul3A_8 = arith.muli %add3A_5, %mul3A_7 : vector<16xi32>
    %add3A_9 = arith.constant 16 : i32
    %add3A_10 = vector.broadcast %add3A_9 : i32 to vector<16xi32>
    %add3A_11 = arith.addi %iota3A, %add3A_10 : vector<16xi32>
    %mul3A_12 = arith.constant 33 : i32
    %mul3A_13 = vector.broadcast %mul3A_12 : i32 to vector<16xi32>
    %mul3A_14 = arith.muli %add3A_11, %mul3A_13 : vector<16xi32>
    %add3A_15 = arith.constant 32 : i32
    %add3A_16 = vector.broadcast %add3A_15 : i32 to vector<16xi32>
    %add3A_17 = arith.addi %iota3A, %add3A_16 : vector<16xi32>
    %mul3A_18 = arith.constant 33 : i32
    %mul3A_19 = vector.broadcast %mul3A_18 : i32 to vector<16xi32>
    %mul3A_20 = arith.muli %add3A_17, %mul3A_19 : vector<16xi32>
    %add3A_21 = arith.constant 48 : i32
    %add3A_22 = vector.broadcast %add3A_21 : i32 to vector<16xi32>
    %add3A_23 = arith.addi %iota3A, %add3A_22 : vector<16xi32>
    %mul3A_24 = arith.constant 33 : i32
    %mul3A_25 = vector.broadcast %mul3A_24 : i32 to vector<16xi32>
    %mul3A_26 = arith.muli %add3A_23, %mul3A_25 : vector<16xi32>
    %add3A_27 = arith.constant 64 : i32
    %add3A_28 = vector.broadcast %add3A_27 : i32 to vector<16xi32>
    %add3A_29 = arith.addi %iota3A, %add3A_28 : vector<16xi32>
    %mul3A_30 = arith.constant 33 : i32
    %mul3A_31 = vector.broadcast %mul3A_30 : i32 to vector<16xi32>
    %mul3A_32 = arith.muli %add3A_29, %mul3A_31 : vector<16xi32>
    %add3A_33 = arith.constant 80 : i32
    %add3A_34 = vector.broadcast %add3A_33 : i32 to vector<16xi32>
    %add3A_35 = arith.addi %iota3A, %add3A_34 : vector<16xi32>
    %mul3A_36 = arith.constant 33 : i32
    %mul3A_37 = vector.broadcast %mul3A_36 : i32 to vector<16xi32>
    %mul3A_38 = arith.muli %add3A_35, %mul3A_37 : vector<16xi32>
    %add3A_39 = arith.constant 96 : i32
    %add3A_40 = vector.broadcast %add3A_39 : i32 to vector<16xi32>
    %add3A_41 = arith.addi %iota3A, %add3A_40 : vector<16xi32>
    %mul3A_42 = arith.constant 33 : i32
    %mul3A_43 = vector.broadcast %mul3A_42 : i32 to vector<16xi32>
    %mul3A_44 = arith.muli %add3A_41, %mul3A_43 : vector<16xi32>
    %add3A_45 = arith.constant 112 : i32
    %add3A_46 = vector.broadcast %add3A_45 : i32 to vector<16xi32>
    %add3A_47 = arith.addi %iota3A, %add3A_46 : vector<16xi32>
    %mul3A_48 = arith.constant 33 : i32
    %mul3A_49 = vector.broadcast %mul3A_48 : i32 to vector<16xi32>
    %mul3A_50 = arith.muli %add3A_47, %mul3A_49 : vector<16xi32>
    %dma_start3A = arith.constant 0 : i32
    %dma_start3A_51 = arith.constant 0 : i32
    %dma_start3A_52 = arith.constant 0 : i32
    %dma_start3A_53 = arith.constant 0 : i32
    %dma_start3A_54 = tpu.memref_slice %arg6[%dma_start3A_51, %dma_start3A_52, %dma_start3A_53] : memref<2x128x32xf32, #tpu.memory_space<vmem>> -> memref<1x128x32xf32, #tpu.memory_space<vmem>>
    %dma_start3A_55 = tpu.memref_squeeze %dma_start3A_54 : memref<1x128x32xf32, #tpu.memory_space<vmem>> -> memref<128x32xf32, #tpu.memory_space<vmem>>
    %dma_start3A_56 = arith.constant 0 : i32
    %dma_start3A_57 = tpu.memref_slice %arg5[%dma_start3A, %dma_start3A_56] : memref<200x128xi32, #tpu.memory_space<vmem>> -> memref<1x128xi32, #tpu.memory_space<vmem>>
    %dma_start3A_58 = tpu.memref_squeeze %dma_start3A_57 : memref<1x128xi32, #tpu.memory_space<vmem>> -> memref<128xi32, #tpu.memory_space<vmem>>
    %dma_start3A_59 = arith.constant 0 : i32
    %dma_start3A_60 = arith.constant 0 : i32
    %dma_start3A_61 = tpu.memref_slice %arg3[%dma_start3A_59, %dma_start3A_60] : memref<1000000x32xf32, #tpu.memory_space<hbm>> -> memref<1000000x32xf32, #tpu.memory_space<hbm>>
    tpu.enqueue_indirect_dma source(%dma_start3A_61 : memref<1000000x32xf32, #tpu.memory_space<hbm>>) target(%dma_start3A_55 : memref<128x32xf32, #tpu.memory_space<vmem>>) offsets(%dma_start3A_58 : memref<128xi32, #tpu.memory_space<vmem>>) semaphore(%arg9 : memref<!tpu.dma_semaphore, #tpu.memory_space<semaphore_mem>>)
    %scan3A = arith.constant 0 : i32
    %scan3A_62 = arith.constant 0 : i32
    %scan3A_63 = arith.constant 100 : i32
    %scan3A_64 = arith.addi %scan3A_62, %scan3A_63 : i32
    %scan3A_65 = arith.constant 1 : i32
    scf.for %scan3A_234 = %scan3A_62 to %scan3A_64 step %scan3A_65  : i32 {
      %mul3A_235 = arith.constant 2 : i32
      %mul3A_236 = arith.muli %mul3A_235, %scan3A_234 : i32
      %dma_wait3A_237 = arith.constant 0 : i32
      %dma_wait3A_238 = arith.constant 0 : i32
      %dma_wait3A_239 = arith.constant 0 : i32
      %dma_wait3A_240 = arith.constant 0 : i32
      %dma_wait3A_241 = tpu.memref_slice %arg6[%dma_wait3A_238, %dma_wait3A_239, %dma_wait3A_240] : memref<2x128x32xf32, #tpu.memory_space<vmem>> -> memref<1x128x32xf32, #tpu.memory_space<vmem>>
      %dma_wait3A_242 = tpu.memref_squeeze %dma_wait3A_241 : memref<1x128x32xf32, #tpu.memory_space<vmem>> -> memref<128x32xf32, #tpu.memory_space<vmem>>
      %dma_wait3A_243 = arith.constant 0 : i32
      %dma_wait3A_244 = tpu.memref_slice %arg5[%dma_wait3A_237, %dma_wait3A_243] : memref<200x128xi32, #tpu.memory_space<vmem>> -> memref<1x128xi32, #tpu.memory_space<vmem>>
      %dma_wait3A_245 = tpu.memref_squeeze %dma_wait3A_244 : memref<1x128xi32, #tpu.memory_space<vmem>> -> memref<128xi32, #tpu.memory_space<vmem>>
      %dma_wait3A_246 = arith.constant 0 : i32
      %dma_wait3A_247 = arith.constant 0 : i32
      %dma_wait3A_248 = tpu.memref_slice %arg3[%dma_wait3A_246, %dma_wait3A_247] : memref<1000000x32xf32, #tpu.memory_space<hbm>> -> memref<1000000x32xf32, #tpu.memory_space<hbm>>
      tpu.wait_indirect_dma semaphore(%arg9 : memref<!tpu.dma_semaphore, #tpu.memory_space<semaphore_mem>>) src(%dma_wait3A_248 : memref<1000000x32xf32, #tpu.memory_space<hbm>>) dst(%dma_wait3A_242 : memref<128x32xf32, #tpu.memory_space<vmem>>)
      %ge3A = arith.constant 1 : i32
      %ge3A_249 = arith.cmpi sge, %mul3A_236, %ge3A : i32
      %lt3A = arith.constant 199 : i32
      %lt3A_250 = arith.cmpi slt, %mul3A_236, %lt3A : i32
      %and3A = arith.andi %ge3A_249, %lt3A_250 : i1
      %convert_element_type3A = arith.extui %and3A : i1 to i32
      %cond3A = arith.constant 0 : i32
      %cond3A_251 = arith.cmpi ne, %convert_element_type3A, %cond3A : i32
      scf.if %cond3A_251 {
        %dma_wait3A_458 = arith.constant 1 : i32
        %dma_wait3A_459 = arith.constant 0 : i32
        %dma_wait3A_460 = arith.constant 0 : i32
        %dma_wait3A_461 = arith.constant 0 : i32
        %dma_wait3A_462 = arith.constant 0 : i32
        %dma_wait3A_463 = arith.constant 0 : i32
        %dma_wait3A_464 = arith.constant 0 : i32
        %dma_wait3A_465 = tpu.memref_slice %arg8[%dma_wait3A_458, %dma_wait3A_459, %dma_wait3A_463, %dma_wait3A_464] : memref<2x4x8x128xf32, #tpu.memory_space<vmem>> -> memref<1x1x8x128xf32, #tpu.memory_space<vmem>>
        %dma_wait3A_466 = tpu.memref_squeeze %dma_wait3A_465 : memref<1x1x8x128xf32, #tpu.memory_space<vmem>> -> memref<8x128xf32, #tpu.memory_space<vmem>>
        %dma_wait3A_467 = arith.constant 0 : i32
        %dma_wait3A_468 = arith.constant 0 : i32
        %dma_wait3A_469 = tpu.memref_slice %arg4[%dma_wait3A_460, %dma_wait3A_461, %dma_wait3A_462, %dma_wait3A_467, %dma_wait3A_468] : memref<50x4x128x8x128xf32, #tpu.memory_space<hbm>> -> memref<1x1x1x8x128xf32, #tpu.memory_space<hbm>>
        %dma_wait3A_470 = tpu.memref_squeeze %dma_wait3A_469 : memref<1x1x1x8x128xf32, #tpu.memory_space<hbm>> -> memref<8x128xf32, #tpu.memory_space<hbm>>
        %dma_wait3A_471 = arith.constant 0 : i32
        %dma_wait3A_472 = arith.constant 0 : i32
        %dma_wait3A_473 = tpu.memref_slice %arg4[%dma_wait3A_460, %dma_wait3A_461, %dma_wait3A_462, %dma_wait3A_471, %dma_wait3A_472] : memref<50x4x128x8x128xf32, #tpu.memory_space<hbm>> -> memref<1x1x1x8x128xf32, #tpu.memory_space<hbm>>
        %dma_wait3A_474 = tpu.memref_squeeze %dma_wait3A_473 : memref<1x1x1x8x128xf32, #tpu.memory_space<hbm>> -> memref<8x128xf32, #tpu.memory_space<hbm>>
        %dma_wait3A_475 = arith.constant 0 : i32
        %dma_wait3A_476 = arith.constant 0 : i32
        %dma_wait3A_477 = tpu.memref_slice %arg8[%dma_wait3A_458, %dma_wait3A_459, %dma_wait3A_475, %dma_wait3A_476] : memref<2x4x8x128xf32, #tpu.memory_space<vmem>> -> memref<1x1x8x128xf32, #tpu.memory_space<vmem>>
        %dma_wait3A_478 = tpu.memref_squeeze %dma_wait3A_477 : memref<1x1x8x128xf32, #tpu.memory_space<vmem>> -> memref<8x128xf32, #tpu.memory_space<vmem>>
        tpu.wait_dma2 semaphore(%arg12 : memref<!tpu.dma_semaphore, #tpu.memory_space<semaphore_mem>>) src(%dma_wait3A_478 : memref<8x128xf32, #tpu.memory_space<vmem>>) dst(%dma_wait3A_474 : memref<8x128xf32, #tpu.memory_space<hbm>>)
        %dma_wait3A_479 = arith.constant 1 : i32
        %dma_wait3A_480 = arith.constant 1 : i32
        %dma_wait3A_481 = arith.constant 0 : i32
        %dma_wait3A_482 = arith.constant 1 : i32
        %dma_wait3A_483 = arith.constant 0 : i32
        %dma_wait3A_484 = arith.constant 0 : i32
        %dma_wait3A_485 = arith.constant 0 : i32
        %dma_wait3A_486 = tpu.memref_slice %arg8[%dma_wait3A_479, %dma_wait3A_480, %dma_wait3A_484, %dma_wait3A_485] : memref<2x4x8x128xf32, #tpu.memory_space<vmem>> -> memref<1x1x8x128xf32, #tpu.memory_space<vmem>>
        %dma_wait3A_487 = tpu.memref_squeeze %dma_wait3A_486 : memref<1x1x8x128xf32, #tpu.memory_space<vmem>> -> memref<8x128xf32, #tpu.memory_space<vmem>>
        %dma_wait3A_488 = arith.constant 0 : i32
        %dma_wait3A_489 = arith.constant 0 : i32
        %dma_wait3A_490 = tpu.memref_slice %arg4[%dma_wait3A_481, %dma_wait3A_482, %dma_wait3A_483, %dma_wait3A_488, %dma_wait3A_489] : memref<50x4x128x8x128xf32, #tpu.memory_space<hbm>> -> memref<1x1x1x8x128xf32, #tpu.memory_space<hbm>>
        %dma_wait3A_491 = tpu.memref_squeeze %dma_wait3A_490 : memref<1x1x1x8x128xf32, #tpu.memory_space<hbm>> -> memref<8x128xf32, #tpu.memory_space<hbm>>
        %dma_wait3A_492 = arith.constant 0 : i32
        %dma_wait3A_493 = arith.constant 0 : i32
        %dma_wait3A_494 = tpu.memref_slice %arg4[%dma_wait3A_481, %dma_wait3A_482, %dma_wait3A_483, %dma_wait3A_492, %dma_wait3A_493] : memref<50x4x128x8x128xf32, #tpu.memory_space<hbm>> -> memref<1x1x1x8x128xf32, #tpu.memory_space<hbm>>
        %dma_wait3A_495 = tpu.memref_squeeze %dma_wait3A_494 : memref<1x1x1x8x128xf32, #tpu.memory_space<hbm>> -> memref<8x128xf32, #tpu.memory_space<hbm>>
        %dma_wait3A_496 = arith.constant 0 : i32
        %dma_wait3A_497 = arith.constant 0 : i32
        %dma_wait3A_498 = tpu.memref_slice %arg8[%dma_wait3A_479, %dma_wait3A_480, %dma_wait3A_496, %dma_wait3A_497] : memref<2x4x8x128xf32, #tpu.memory_space<vmem>> -> memref<1x1x8x128xf32, #tpu.memory_space<vmem>>
        %dma_wait3A_499 = tpu.memref_squeeze %dma_wait3A_498 : memref<1x1x8x128xf32, #tpu.memory_space<vmem>> -> memref<8x128xf32, #tpu.memory_space<vmem>>
        tpu.wait_dma2 semaphore(%arg12 : memref<!tpu.dma_semaphore, #tpu.memory_space<semaphore_mem>>) src(%dma_wait3A_499 : memref<8x128xf32, #tpu.memory_space<vmem>>) dst(%dma_wait3A_495 : memref<8x128xf32, #tpu.memory_space<hbm>>)
        %dma_wait3A_500 = arith.constant 1 : i32
        %dma_wait3A_501 = arith.constant 2 : i32
        %dma_wait3A_502 = arith.constant 0 : i32
        %dma_wait3A_503 = arith.constant 2 : i32
        %dma_wait3A_504 = arith.constant 0 : i32
        %dma_wait3A_505 = arith.constant 0 : i32
        %dma_wait3A_506 = arith.constant 0 : i32
        %dma_wait3A_507 = tpu.memref_slice %arg8[%dma_wait3A_500, %dma_wait3A_501, %dma_wait3A_505, %dma_wait3A_506] : memref<2x4x8x128xf32, #tpu.memory_space<vmem>> -> memref<1x1x8x128xf32, #tpu.memory_space<vmem>>
        %dma_wait3A_508 = tpu.memref_squeeze %dma_wait3A_507 : memref<1x1x8x128xf32, #tpu.memory_space<vmem>> -> memref<8x128xf32, #tpu.memory_space<vmem>>
        %dma_wait3A_509 = arith.constant 0 : i32
        %dma_wait3A_510 = arith.constant 0 : i32
        %dma_wait3A_511 = tpu.memref_slice %arg4[%dma_wait3A_502, %dma_wait3A_503, %dma_wait3A_504, %dma_wait3A_509, %dma_wait3A_510] : memref<50x4x128x8x128xf32, #tpu.memory_space<hbm>> -> memref<1x1x1x8x128xf32, #tpu.memory_space<hbm>>
        %dma_wait3A_512 = tpu.memref_squeeze %dma_wait3A_511 : memref<1x1x1x8x128xf32, #tpu.memory_space<hbm>> -> memref<8x128xf32, #tpu.memory_space<hbm>>
        %dma_wait3A_513 = arith.constant 0 : i32
        %dma_wait3A_514 = arith.constant 0 : i32
        %dma_wait3A_515 = tpu.memref_slice %arg4[%dma_wait3A_502, %dma_wait3A_503, %dma_wait3A_504, %dma_wait3A_513, %dma_wait3A_514] : memref<50x4x128x8x128xf32, #tpu.memory_space<hbm>> -> memref<1x1x1x8x128xf32, #tpu.memory_space<hbm>>
        %dma_wait3A_516 = tpu.memref_squeeze %dma_wait3A_515 : memref<1x1x1x8x128xf32, #tpu.memory_space<hbm>> -> memref<8x128xf32, #tpu.memory_space<hbm>>
        %dma_wait3A_517 = arith.constant 0 : i32
        %dma_wait3A_518 = arith.constant 0 : i32
        %dma_wait3A_519 = tpu.memref_slice %arg8[%dma_wait3A_500, %dma_wait3A_501, %dma_wait3A_517, %dma_wait3A_518] : memref<2x4x8x128xf32, #tpu.memory_space<vmem>> -> memref<1x1x8x128xf32, #tpu.memory_space<vmem>>
        %dma_wait3A_520 = tpu.memref_squeeze %dma_wait3A_519 : memref<1x1x8x128xf32, #tpu.memory_space<vmem>> -> memref<8x128xf32, #tpu.memory_space<vmem>>
        tpu.wait_dma2 semaphore(%arg12 : memref<!tpu.dma_semaphore, #tpu.memory_space<semaphore_mem>>) src(%dma_wait3A_520 : memref<8x128xf32, #tpu.memory_space<vmem>>) dst(%dma_wait3A_516 : memref<8x128xf32, #tpu.memory_space<hbm>>)
        %dma_wait3A_521 = arith.constant 1 : i32
        %dma_wait3A_522 = arith.constant 3 : i32
        %dma_wait3A_523 = arith.constant 0 : i32
        %dma_wait3A_524 = arith.constant 3 : i32
        %dma_wait3A_525 = arith.constant 0 : i32
        %dma_wait3A_526 = arith.constant 0 : i32
        %dma_wait3A_527 = arith.constant 0 : i32
        %dma_wait3A_528 = tpu.memref_slice %arg8[%dma_wait3A_521, %dma_wait3A_522, %dma_wait3A_526, %dma_wait3A_527] : memref<2x4x8x128xf32, #tpu.memory_space<vmem>> -> memref<1x1x8x128xf32, #tpu.memory_space<vmem>>
        %dma_wait3A_529 = tpu.memref_squeeze %dma_wait3A_528 : memref<1x1x8x128xf32, #tpu.memory_space<vmem>> -> memref<8x128xf32, #tpu.memory_space<vmem>>
        %dma_wait3A_530 = arith.constant 0 : i32
        %dma_wait3A_531 = arith.constant 0 : i32
        %dma_wait3A_532 = tpu.memref_slice %arg4[%dma_wait3A_523, %dma_wait3A_524, %dma_wait3A_525, %dma_wait3A_530, %dma_wait3A_531] : memref<50x4x128x8x128xf32, #tpu.memory_space<hbm>> -> memref<1x1x1x8x128xf32, #tpu.memory_space<hbm>>
        %dma_wait3A_533 = tpu.memref_squeeze %dma_wait3A_532 : memref<1x1x1x8x128xf32, #tpu.memory_space<hbm>> -> memref<8x128xf32, #tpu.memory_space<hbm>>
        %dma_wait3A_534 = arith.constant 0 : i32
        %dma_wait3A_535 = arith.constant 0 : i32
        %dma_wait3A_536 = tpu.memref_slice %arg4[%dma_wait3A_523, %dma_wait3A_524, %dma_wait3A_525, %dma_wait3A_534, %dma_wait3A_535] : memref<50x4x128x8x128xf32, #tpu.memory_space<hbm>> -> memref<1x1x1x8x128xf32, #tpu.memory_space<hbm>>
        %dma_wait3A_537 = tpu.memref_squeeze %dma_wait3A_536 : memref<1x1x1x8x128xf32, #tpu.memory_space<hbm>> -> memref<8x128xf32, #tpu.memory_space<hbm>>
        %dma_wait3A_538 = arith.constant 0 : i32
        %dma_wait3A_539 = arith.constant 0 : i32
        %dma_wait3A_540 = tpu.memref_slice %arg8[%dma_wait3A_521, %dma_wait3A_522, %dma_wait3A_538, %dma_wait3A_539] : memref<2x4x8x128xf32, #tpu.memory_space<vmem>> -> memref<1x1x8x128xf32, #tpu.memory_space<vmem>>
        %dma_wait3A_541 = tpu.memref_squeeze %dma_wait3A_540 : memref<1x1x8x128xf32, #tpu.memory_space<vmem>> -> memref<8x128xf32, #tpu.memory_space<vmem>>
        tpu.wait_dma2 semaphore(%arg12 : memref<!tpu.dma_semaphore, #tpu.memory_space<semaphore_mem>>) src(%dma_wait3A_541 : memref<8x128xf32, #tpu.memory_space<vmem>>) dst(%dma_wait3A_537 : memref<8x128xf32, #tpu.memory_space<hbm>>)
      } else {
      }
      %lt3A_252 = arith.constant 199 : i32
      %lt3A_253 = arith.cmpi slt, %mul3A_236, %lt3A_252 : i32
      %convert_element_type3A_254 = arith.extui %lt3A_253 : i1 to i32
      %cond3A_255 = arith.constant 0 : i32
      %cond3A_256 = arith.cmpi ne, %convert_element_type3A_254, %cond3A_255 : i32
      scf.if %cond3A_256 {
        %add3A_458 = arith.constant 1 : i32
        %add3A_459 = arith.addi %mul3A_236, %add3A_458 : i32
        %dma_start3A_460 = arith.constant 1 : i32
        %dma_start3A_461 = arith.constant 0 : i32
        %dma_start3A_462 = arith.constant 0 : i32
        %dma_start3A_463 = tpu.memref_slice %arg6[%dma_start3A_460, %dma_start3A_461, %dma_start3A_462] : memref<2x128x32xf32, #tpu.memory_space<vmem>> -> memref<1x128x32xf32, #tpu.memory_space<vmem>>
        %dma_start3A_464 = tpu.memref_squeeze %dma_start3A_463 : memref<1x128x32xf32, #tpu.memory_space<vmem>> -> memref<128x32xf32, #tpu.memory_space<vmem>>
        %dma_start3A_465 = arith.constant 0 : i32
        %dma_start3A_466 = tpu.memref_slice %arg5[%add3A_459, %dma_start3A_465] : memref<200x128xi32, #tpu.memory_space<vmem>> -> memref<1x128xi32, #tpu.memory_space<vmem>>
        %dma_start3A_467 = tpu.memref_squeeze %dma_start3A_466 : memref<1x128xi32, #tpu.memory_space<vmem>> -> memref<128xi32, #tpu.memory_space<vmem>>
        %dma_start3A_468 = arith.constant 0 : i32
        %dma_start3A_469 = arith.constant 0 : i32
        %dma_start3A_470 = tpu.memref_slice %arg3[%dma_start3A_468, %dma_start3A_469] : memref<1000000x32xf32, #tpu.memory_space<hbm>> -> memref<1000000x32xf32, #tpu.memory_space<hbm>>
        tpu.enqueue_indirect_dma source(%dma_start3A_470 : memref<1000000x32xf32, #tpu.memory_space<hbm>>) target(%dma_start3A_464 : memref<128x32xf32, #tpu.memory_space<vmem>>) offsets(%dma_start3A_467 : memref<128xi32, #tpu.memory_space<vmem>>) semaphore(%arg10 : memref<!tpu.dma_semaphore, #tpu.memory_space<semaphore_mem>>)
      } else {
      }
      %parallel_loop3A = arith.constant 0 : i32
      %parallel_loop3A_257 = arith.constant 128 : i32
      %parallel_loop3A_258 = arith.constant 1 : i32
      scf.for %parallel_loop3A_458 = %parallel_loop3A to %parallel_loop3A_257 step %parallel_loop3A_258  : i32 {
        %parallel_loop3A_459 = arith.constant 33 : i32
        %parallel_loop3A_460 = arith.muli %parallel_loop3A_458, %parallel_loop3A_459 : i32
        %parallel_loop3A_461 = arith.constant 0 : i32
        %parallel_loop3A_462 = arith.index_cast %parallel_loop3A_461 : i32 to index
        %parallel_loop3A_463 = arith.index_cast %parallel_loop3A_458 : i32 to index
        %parallel_loop3A_464 = arith.constant 0 : index
        %parallel_loop3A_465 = tpu.vector_load %arg6[%parallel_loop3A_462, %parallel_loop3A_463, %parallel_loop3A_464] {strides = array<i32>} : memref<2x128x32xf32, #tpu.memory_space<vmem>>, vector<16xf32>,
        %parallel_loop3A_466 = arith.constant 0 : i32
        %parallel_loop3A_467 = arith.index_cast %parallel_loop3A_466 : i32 to index
        %parallel_loop3A_468 = arith.index_cast %parallel_loop3A_460 : i32 to index
        %parallel_loop3A_469 = tpu.vector_load %arg7[%parallel_loop3A_467, %parallel_loop3A_468] {strides = array<i32>} : memref<2x4224xf32, #tpu.memory_space<vmem>>, vector<16xf32>,
        tpu.vector_store %arg7[%parallel_loop3A_467, %parallel_loop3A_468], %parallel_loop3A_465 {strides = array<i32>} : memref<2x4224xf32, #tpu.memory_space<vmem>>, vector<16xf32>,
        %parallel_loop3A_470 = arith.constant 0 : i32
        %parallel_loop3A_471 = arith.index_cast %parallel_loop3A_470 : i32 to index
        %parallel_loop3A_472 = arith.index_cast %parallel_loop3A_458 : i32 to index
        %parallel_loop3A_473 = arith.constant 16 : index
        %parallel_loop3A_474 = tpu.vector_load %arg6[%parallel_loop3A_471, %parallel_loop3A_472, %parallel_loop3A_473] {strides = array<i32>} : memref<2x128x32xf32, #tpu.memory_space<vmem>>, vector<16xf32>,
        %parallel_loop3A_475 = arith.constant 16 : i32
        %parallel_loop3A_476 = arith.addi %parallel_loop3A_460, %parallel_loop3A_475 : i32
        %parallel_loop3A_477 = arith.constant 0 : i32
        %parallel_loop3A_478 = arith.index_cast %parallel_loop3A_477 : i32 to index
        %parallel_loop3A_479 = arith.index_cast %parallel_loop3A_476 : i32 to index
        %parallel_loop3A_480 = tpu.vector_load %arg7[%parallel_loop3A_478, %parallel_loop3A_479] {strides = array<i32>} : memref<2x4224xf32, #tpu.memory_space<vmem>>, vector<16xf32>,
        tpu.vector_store %arg7[%parallel_loop3A_478, %parallel_loop3A_479], %parallel_loop3A_474 {strides = array<i32>} : memref<2x4224xf32, #tpu.memory_space<vmem>>, vector<16xf32>,
      } {sc.loop_unroll_factor = 8 : i64, sc.parallel_access}
      %parallel_loop3A_259 = arith.constant 0 : i32
      %parallel_loop3A_260 = arith.constant 32 : i32
      %parallel_loop3A_261 = arith.constant 1 : i32
      scf.for %parallel_loop3A_458 = %parallel_loop3A_259 to %parallel_loop3A_260 step %parallel_loop3A_261  : i32 {
        %parallel_loop3A_459 = arith.constant 3 : i32
        %parallel_loop3A_460 = arith.shrui %parallel_loop3A_458, %parallel_loop3A_459 : i32
        %parallel_loop3A_461 = arith.constant 7 : i32
        %parallel_loop3A_462 = arith.andi %parallel_loop3A_458, %parallel_loop3A_461 : i32
        %parallel_loop3A_463 = vector.broadcast %parallel_loop3A_458 : i32 to vector<16xi32>
        %parallel_loop3A_464 = arith.addi %mul3A_8, %parallel_loop3A_463 : vector<16xi32>
        %parallel_loop3A_465 = arith.constant 0 : i32
        %parallel_loop3A_466 = arith.constant 0 : i32
        %parallel_loop3A_467 = tpu.memref_slice %arg7[%parallel_loop3A_465, %parallel_loop3A_466] : memref<2x4224xf32, #tpu.memory_space<vmem>> -> memref<1x4224xf32, #tpu.memory_space<vmem>>
        %parallel_loop3A_468 = tpu.memref_squeeze %parallel_loop3A_467 : memref<1x4224xf32, #tpu.memory_space<vmem>> -> memref<4224xf32, #tpu.memory_space<vmem>>
        %parallel_loop3A_469 = tpu.vector_load_idx %parallel_loop3A_468[%parallel_loop3A_464] : memref<4224xf32, #tpu.memory_space<vmem>>[vector<16xi32>], vector<16xf32>,
        %parallel_loop3A_470 = arith.constant 1.000000e+01 : f32
        %parallel_loop3A_471 = vector.broadcast %parallel_loop3A_470 : f32 to vector<16xf32>
        %parallel_loop3A_472 = arith.mulf %parallel_loop3A_469, %parallel_loop3A_471 : vector<16xf32>
        %parallel_loop3A_473 = arith.constant 0 : i32
        %parallel_loop3A_474 = arith.index_cast %parallel_loop3A_473 : i32 to index
        %parallel_loop3A_475 = arith.index_cast %parallel_loop3A_460 : i32 to index
        %parallel_loop3A_476 = arith.index_cast %parallel_loop3A_462 : i32 to index
        %parallel_loop3A_477 = arith.constant 0 : index
        %parallel_loop3A_478 = tpu.vector_load %arg8[%parallel_loop3A_474, %parallel_loop3A_475, %parallel_loop3A_476, %parallel_loop3A_477] {strides = array<i32>} : memref<2x4x8x128xf32, #tpu.memory_space<vmem>>, vector<16xf32>,
        tpu.vector_store %arg8[%parallel_loop3A_474, %parallel_loop3A_475, %parallel_loop3A_476, %parallel_loop3A_477], %parallel_loop3A_472 {strides = array<i32>} : memref<2x4x8x128xf32, #tpu.memory_space<vmem>>, vector<16xf32>,
        %parallel_loop3A_479 = vector.broadcast %parallel_loop3A_458 : i32 to vector<16xi32>
        %parallel_loop3A_480 = arith.addi %mul3A_14, %parallel_loop3A_479 : vector<16xi32>
        %parallel_loop3A_481 = arith.constant 0 : i32
        %parallel_loop3A_482 = arith.constant 0 : i32
        %parallel_loop3A_483 = tpu.memref_slice %arg7[%parallel_loop3A_481, %parallel_loop3A_482] : memref<2x4224xf32, #tpu.memory_space<vmem>> -> memref<1x4224xf32, #tpu.memory_space<vmem>>
        %parallel_loop3A_484 = tpu.memref_squeeze %parallel_loop3A_483 : memref<1x4224xf32, #tpu.memory_space<vmem>> -> memref<4224xf32, #tpu.memory_space<vmem>>
        %parallel_loop3A_485 = tpu.vector_load_idx %parallel_loop3A_484[%parallel_loop3A_480] : memref<4224xf32, #tpu.memory_space<vmem>>[vector<16xi32>], vector<16xf32>,
        %parallel_loop3A_486 = arith.constant 1.000000e+01 : f32
        %parallel_loop3A_487 = vector.broadcast %parallel_loop3A_486 : f32 to vector<16xf32>
        %parallel_loop3A_488 = arith.mulf %parallel_loop3A_485, %parallel_loop3A_487 : vector<16xf32>
        %parallel_loop3A_489 = arith.constant 0 : i32
        %parallel_loop3A_490 = arith.index_cast %parallel_loop3A_489 : i32 to index
        %parallel_loop3A_491 = arith.index_cast %parallel_loop3A_460 : i32 to index
        %parallel_loop3A_492 = arith.index_cast %parallel_loop3A_462 : i32 to index
        %parallel_loop3A_493 = arith.constant 16 : index
        %parallel_loop3A_494 = tpu.vector_load %arg8[%parallel_loop3A_490, %parallel_loop3A_491, %parallel_loop3A_492, %parallel_loop3A_493] {strides = array<i32>} : memref<2x4x8x128xf32, #tpu.memory_space<vmem>>, vector<16xf32>,
        tpu.vector_store %arg8[%parallel_loop3A_490, %parallel_loop3A_491, %parallel_loop3A_492, %parallel_loop3A_493], %parallel_loop3A_488 {strides = array<i32>} : memref<2x4x8x128xf32, #tpu.memory_space<vmem>>, vector<16xf32>,
        %parallel_loop3A_495 = vector.broadcast %parallel_loop3A_458 : i32 to vector<16xi32>
        %parallel_loop3A_496 = arith.addi %mul3A_20, %parallel_loop3A_495 : vector<16xi32>
        %parallel_loop3A_497 = arith.constant 0 : i32
        %parallel_loop3A_498 = arith.constant 0 : i32
        %parallel_loop3A_499 = tpu.memref_slice %arg7[%parallel_loop3A_497, %parallel_loop3A_498] : memref<2x4224xf32, #tpu.memory_space<vmem>> -> memref<1x4224xf32, #tpu.memory_space<vmem>>
        %parallel_loop3A_500 = tpu.memref_squeeze %parallel_loop3A_499 : memref<1x4224xf32, #tpu.memory_space<vmem>> -> memref<4224xf32, #tpu.memory_space<vmem>>
        %parallel_loop3A_501 = tpu.vector_load_idx %parallel_loop3A_500[%parallel_loop3A_496] : memref<4224xf32, #tpu.memory_space<vmem>>[vector<16xi32>], vector<16xf32>,
        %parallel_loop3A_502 = arith.constant 1.000000e+01 : f32
        %parallel_loop3A_503 = vector.broadcast %parallel_loop3A_502 : f32 to vector<16xf32>
        %parallel_loop3A_504 = arith.mulf %parallel_loop3A_501, %parallel_loop3A_503 : vector<16xf32>
        %parallel_loop3A_505 = arith.constant 0 : i32
        %parallel_loop3A_506 = arith.index_cast %parallel_loop3A_505 : i32 to index
        %parallel_loop3A_507 = arith.index_cast %parallel_loop3A_460 : i32 to index
        %parallel_loop3A_508 = arith.index_cast %parallel_loop3A_462 : i32 to index
        %parallel_loop3A_509 = arith.constant 32 : index
        %parallel_loop3A_510 = tpu.vector_load %arg8[%parallel_loop3A_506, %parallel_loop3A_507, %parallel_loop3A_508, %parallel_loop3A_509] {strides = array<i32>} : memref<2x4x8x128xf32, #tpu.memory_space<vmem>>, vector<16xf32>,
        tpu.vector_store %arg8[%parallel_loop3A_506, %parallel_loop3A_507, %parallel_loop3A_508, %parallel_loop3A_509], %parallel_loop3A_504 {strides = array<i32>} : memref<2x4x8x128xf32, #tpu.memory_space<vmem>>, vector<16xf32>,
        %parallel_loop3A_511 = vector.broadcast %parallel_loop3A_458 : i32 to vector<16xi32>
        %parallel_loop3A_512 = arith.addi %mul3A_26, %parallel_loop3A_511 : vector<16xi32>
        %parallel_loop3A_513 = arith.constant 0 : i32
        %parallel_loop3A_514 = arith.constant 0 : i32
        %parallel_loop3A_515 = tpu.memref_slice %arg7[%parallel_loop3A_513, %parallel_loop3A_514] : memref<2x4224xf32, #tpu.memory_space<vmem>> -> memref<1x4224xf32, #tpu.memory_space<vmem>>
        %parallel_loop3A_516 = tpu.memref_squeeze %parallel_loop3A_515 : memref<1x4224xf32, #tpu.memory_space<vmem>> -> memref<4224xf32, #tpu.memory_space<vmem>>
        %parallel_loop3A_517 = tpu.vector_load_idx %parallel_loop3A_516[%parallel_loop3A_512] : memref<4224xf32, #tpu.memory_space<vmem>>[vector<16xi32>], vector<16xf32>,
        %parallel_loop3A_518 = arith.constant 1.000000e+01 : f32
        %parallel_loop3A_519 = vector.broadcast %parallel_loop3A_518 : f32 to vector<16xf32>
        %parallel_loop3A_520 = arith.mulf %parallel_loop3A_517, %parallel_loop3A_519 : vector<16xf32>
        %parallel_loop3A_521 = arith.constant 0 : i32
        %parallel_loop3A_522 = arith.index_cast %parallel_loop3A_521 : i32 to index
        %parallel_loop3A_523 = arith.index_cast %parallel_loop3A_460 : i32 to index
        %parallel_loop3A_524 = arith.index_cast %parallel_loop3A_462 : i32 to index
        %parallel_loop3A_525 = arith.constant 48 : index
        %parallel_loop3A_526 = tpu.vector_load %arg8[%parallel_loop3A_522, %parallel_loop3A_523, %parallel_loop3A_524, %parallel_loop3A_525] {strides = array<i32>} : memref<2x4x8x128xf32, #tpu.memory_space<vmem>>, vector<16xf32>,
        tpu.vector_store %arg8[%parallel_loop3A_522, %parallel_loop3A_523, %parallel_loop3A_524, %parallel_loop3A_525], %parallel_loop3A_520 {strides = array<i32>} : memref<2x4x8x128xf32, #tpu.memory_space<vmem>>, vector<16xf32>,
        %parallel_loop3A_527 = vector.broadcast %parallel_loop3A_458 : i32 to vector<16xi32>
        %parallel_loop3A_528 = arith.addi %mul3A_32, %parallel_loop3A_527 : vector<16xi32>
        %parallel_loop3A_529 = arith.constant 0 : i32
        %parallel_loop3A_530 = arith.constant 0 : i32
        %parallel_loop3A_531 = tpu.memref_slice %arg7[%parallel_loop3A_529, %parallel_loop3A_530] : memref<2x4224xf32, #tpu.memory_space<vmem>> -> memref<1x4224xf32, #tpu.memory_space<vmem>>
        %parallel_loop3A_532 = tpu.memref_squeeze %parallel_loop3A_531 : memref<1x4224xf32, #tpu.memory_space<vmem>> -> memref<4224xf32, #tpu.memory_space<vmem>>
        %parallel_loop3A_533 = tpu.vector_load_idx %parallel_loop3A_532[%parallel_loop3A_528] : memref<4224xf32, #tpu.memory_space<vmem>>[vector<16xi32>], vector<16xf32>,
        %parallel_loop3A_534 = arith.constant 1.000000e+01 : f32
        %parallel_loop3A_535 = vector.broadcast %parallel_loop3A_534 : f32 to vector<16xf32>
        %parallel_loop3A_536 = arith.mulf %parallel_loop3A_533, %parallel_loop3A_535 : vector<16xf32>
        %parallel_loop3A_537 = arith.constant 0 : i32
        %parallel_loop3A_538 = arith.index_cast %parallel_loop3A_537 : i32 to index
        %parallel_loop3A_539 = arith.index_cast %parallel_loop3A_460 : i32 to index
        %parallel_loop3A_540 = arith.index_cast %parallel_loop3A_462 : i32 to index
        %parallel_loop3A_541 = arith.constant 64 : index
        %parallel_loop3A_542 = tpu.vector_load %arg8[%parallel_loop3A_538, %parallel_loop3A_539, %parallel_loop3A_540, %parallel_loop3A_541] {strides = array<i32>} : memref<2x4x8x128xf32, #tpu.memory_space<vmem>>, vector<16xf32>,
        tpu.vector_store %arg8[%parallel_loop3A_538, %parallel_loop3A_539, %parallel_loop3A_540, %parallel_loop3A_541], %parallel_loop3A_536 {strides = array<i32>} : memref<2x4x8x128xf32, #tpu.memory_space<vmem>>, vector<16xf32>,
        %parallel_loop3A_543 = vector.broadcast %parallel_loop3A_458 : i32 to vector<16xi32>
        %parallel_loop3A_544 = arith.addi %mul3A_38, %parallel_loop3A_543 : vector<16xi32>
        %parallel_loop3A_545 = arith.constant 0 : i32
        %parallel_loop3A_546 = arith.constant 0 : i32
        %parallel_loop3A_547 = tpu.memref_slice %arg7[%parallel_loop3A_545, %parallel_loop3A_546] : memref<2x4224xf32, #tpu.memory_space<vmem>> -> memref<1x4224xf32, #tpu.memory_space<vmem>>
        %parallel_loop3A_548 = tpu.memref_squeeze %parallel_loop3A_547 : memref<1x4224xf32, #tpu.memory_space<vmem>> -> memref<4224xf32, #tpu.memory_space<vmem>>
        %parallel_loop3A_549 = tpu.vector_load_idx %parallel_loop3A_548[%parallel_loop3A_544] : memref<4224xf32, #tpu.memory_space<vmem>>[vector<16xi32>], vector<16xf32>,
        %parallel_loop3A_550 = arith.constant 1.000000e+01 : f32
        %parallel_loop3A_551 = vector.broadcast %parallel_loop3A_550 : f32 to vector<16xf32>
        %parallel_loop3A_552 = arith.mulf %parallel_loop3A_549, %parallel_loop3A_551 : vector<16xf32>
        %parallel_loop3A_553 = arith.constant 0 : i32
        %parallel_loop3A_554 = arith.index_cast %parallel_loop3A_553 : i32 to index
        %parallel_loop3A_555 = arith.index_cast %parallel_loop3A_460 : i32 to index
        %parallel_loop3A_556 = arith.index_cast %parallel_loop3A_462 : i32 to index
        %parallel_loop3A_557 = arith.constant 80 : index
        %parallel_loop3A_558 = tpu.vector_load %arg8[%parallel_loop3A_554, %parallel_loop3A_555, %parallel_loop3A_556, %parallel_loop3A_557] {strides = array<i32>} : memref<2x4x8x128xf32, #tpu.memory_space<vmem>>, vector<16xf32>,
        tpu.vector_store %arg8[%parallel_loop3A_554, %parallel_loop3A_555, %parallel_loop3A_556, %parallel_loop3A_557], %parallel_loop3A_552 {strides = array<i32>} : memref<2x4x8x128xf32, #tpu.memory_space<vmem>>, vector<16xf32>,
        %parallel_loop3A_559 = vector.broadcast %parallel_loop3A_458 : i32 to vector<16xi32>
        %parallel_loop3A_560 = arith.addi %mul3A_44, %parallel_loop3A_559 : vector<16xi32>
        %parallel_loop3A_561 = arith.constant 0 : i32
        %parallel_loop3A_562 = arith.constant 0 : i32
        %parallel_loop3A_563 = tpu.memref_slice %arg7[%parallel_loop3A_561, %parallel_loop3A_562] : memref<2x4224xf32, #tpu.memory_space<vmem>> -> memref<1x4224xf32, #tpu.memory_space<vmem>>
        %parallel_loop3A_564 = tpu.memref_squeeze %parallel_loop3A_563 : memref<1x4224xf32, #tpu.memory_space<vmem>> -> memref<4224xf32, #tpu.memory_space<vmem>>
        %parallel_loop3A_565 = tpu.vector_load_idx %parallel_loop3A_564[%parallel_loop3A_560] : memref<4224xf32, #tpu.memory_space<vmem>>[vector<16xi32>], vector<16xf32>,
        %parallel_loop3A_566 = arith.constant 1.000000e+01 : f32
        %parallel_loop3A_567 = vector.broadcast %parallel_loop3A_566 : f32 to vector<16xf32>
        %parallel_loop3A_568 = arith.mulf %parallel_loop3A_565, %parallel_loop3A_567 : vector<16xf32>
        %parallel_loop3A_569 = arith.constant 0 : i32
        %parallel_loop3A_570 = arith.index_cast %parallel_loop3A_569 : i32 to index
        %parallel_loop3A_571 = arith.index_cast %parallel_loop3A_460 : i32 to index
        %parallel_loop3A_572 = arith.index_cast %parallel_loop3A_462 : i32 to index
        %parallel_loop3A_573 = arith.constant 96 : index
        %parallel_loop3A_574 = tpu.vector_load %arg8[%parallel_loop3A_570, %parallel_loop3A_571, %parallel_loop3A_572, %parallel_loop3A_573] {strides = array<i32>} : memref<2x4x8x128xf32, #tpu.memory_space<vmem>>, vector<16xf32>,
        tpu.vector_store %arg8[%parallel_loop3A_570, %parallel_loop3A_571, %parallel_loop3A_572, %parallel_loop3A_573], %parallel_loop3A_568 {strides = array<i32>} : memref<2x4x8x128xf32, #tpu.memory_space<vmem>>, vector<16xf32>,
        %parallel_loop3A_575 = vector.broadcast %parallel_loop3A_458 : i32 to vector<16xi32>
        %parallel_loop3A_576 = arith.addi %mul3A_50, %parallel_loop3A_575 : vector<16xi32>
        %parallel_loop3A_577 = arith.constant 0 : i32
        %parallel_loop3A_578 = arith.constant 0 : i32
        %parallel_loop3A_579 = tpu.memref_slice %arg7[%parallel_loop3A_577, %parallel_loop3A_578] : memref<2x4224xf32, #tpu.memory_space<vmem>> -> memref<1x4224xf32, #tpu.memory_space<vmem>>
        %parallel_loop3A_580 = tpu.memref_squeeze %parallel_loop3A_579 : memref<1x4224xf32, #tpu.memory_space<vmem>> -> memref<4224xf32, #tpu.memory_space<vmem>>
        %parallel_loop3A_581 = tpu.vector_load_idx %parallel_loop3A_580[%parallel_loop3A_576] : memref<4224xf32, #tpu.memory_space<vmem>>[vector<16xi32>], vector<16xf32>,
        %parallel_loop3A_582 = arith.constant 1.000000e+01 : f32
        %parallel_loop3A_583 = vector.broadcast %parallel_loop3A_582 : f32 to vector<16xf32>
        %parallel_loop3A_584 = arith.mulf %parallel_loop3A_581, %parallel_loop3A_583 : vector<16xf32>
        %parallel_loop3A_585 = arith.constant 0 : i32
        %parallel_loop3A_586 = arith.index_cast %parallel_loop3A_585 : i32 to index
        %parallel_loop3A_587 = arith.index_cast %parallel_loop3A_460 : i32 to index
        %parallel_loop3A_588 = arith.index_cast %parallel_loop3A_462 : i32 to index
        %parallel_loop3A_589 = arith.constant 112 : index
        %parallel_loop3A_590 = tpu.vector_load %arg8[%parallel_loop3A_586, %parallel_loop3A_587, %parallel_loop3A_588, %parallel_loop3A_589] {strides = array<i32>} : memref<2x4x8x128xf32, #tpu.memory_space<vmem>>, vector<16xf32>,
        tpu.vector_store %arg8[%parallel_loop3A_586, %parallel_loop3A_587, %parallel_loop3A_588, %parallel_loop3A_589], %parallel_loop3A_584 {strides = array<i32>} : memref<2x4x8x128xf32, #tpu.memory_space<vmem>>, vector<16xf32>,
      } {sc.loop_unroll_factor = 4 : i64, sc.parallel_access}
      %add3A_262 = arith.addi %mul3A_2, %mul3A_236 : i32
      %shift_right_logical3A = arith.constant 7 : i32
      %shift_right_logical3A_263 = arith.shrui %add3A_262, %shift_right_logical3A : i32
      %and3A_264 = arith.constant 127 : i32
      %and3A_265 = arith.andi %add3A_262, %and3A_264 : i32
      %dma_start3A_266 = arith.constant 0 : i32
      %dma_start3A_267 = arith.constant 0 : i32
      %dma_start3A_268 = arith.constant 0 : i32
      %dma_start3A_269 = arith.constant 0 : i32
      %dma_start3A_270 = arith.constant 0 : i32
      %dma_start3A_271 = tpu.memref_slice %arg8[%dma_start3A_266, %dma_start3A_267, %dma_start3A_269, %dma_start3A_270] : memref<2x4x8x128xf32, #tpu.memory_space<vmem>> -> memref<1x1x8x128xf32, #tpu.memory_space<vmem>>
      %dma_start3A_272 = tpu.memref_squeeze %dma_start3A_271 : memref<1x1x8x128xf32, #tpu.memory_space<vmem>> -> memref<8x128xf32, #tpu.memory_space<vmem>>
      %dma_start3A_273 = arith.constant 0 : i32
      %dma_start3A_274 = arith.constant 0 : i32
      %dma_start3A_275 = tpu.memref_slice %arg4[%shift_right_logical3A_263, %dma_start3A_268, %and3A_265, %dma_start3A_273, %dma_start3A_274] : memref<50x4x128x8x128xf32, #tpu.memory_space<hbm>> -> memref<1x1x1x8x128xf32, #tpu.memory_space<hbm>>
      %dma_start3A_276 = tpu.memref_squeeze %dma_start3A_275 : memref<1x1x1x8x128xf32, #tpu.memory_space<hbm>> -> memref<8x128xf32, #tpu.memory_space<hbm>>
      %dma_start3A_277 = arith.constant 0 : i32
      %dma_start3A_278 = arith.constant 0 : i32
      %dma_start3A_279 = tpu.memref_slice %arg4[%shift_right_logical3A_263, %dma_start3A_268, %and3A_265, %dma_start3A_277, %dma_start3A_278] : memref<50x4x128x8x128xf32, #tpu.memory_space<hbm>> -> memref<1x1x1x8x128xf32, #tpu.memory_space<hbm>>
      %dma_start3A_280 = tpu.memref_squeeze %dma_start3A_279 : memref<1x1x1x8x128xf32, #tpu.memory_space<hbm>> -> memref<8x128xf32, #tpu.memory_space<hbm>>
      %dma_start3A_281 = arith.constant 0 : i32
      %dma_start3A_282 = arith.constant 0 : i32
      %dma_start3A_283 = tpu.memref_slice %arg8[%dma_start3A_266, %dma_start3A_267, %dma_start3A_281, %dma_start3A_282] : memref<2x4x8x128xf32, #tpu.memory_space<vmem>> -> memref<1x1x8x128xf32, #tpu.memory_space<vmem>>
      %dma_start3A_284 = tpu.memref_squeeze %dma_start3A_283 : memref<1x1x8x128xf32, #tpu.memory_space<vmem>> -> memref<8x128xf32, #tpu.memory_space<vmem>>
      tpu.enqueue_dma source(%dma_start3A_284 : memref<8x128xf32, #tpu.memory_space<vmem>>) target(%dma_start3A_280 : memref<8x128xf32, #tpu.memory_space<hbm>>) target_semaphore(%arg11 : memref<!tpu.dma_semaphore, #tpu.memory_space<semaphore_mem>>)
      %dma_start3A_285 = arith.constant 0 : i32
      %dma_start3A_286 = arith.constant 1 : i32
      %dma_start3A_287 = arith.constant 1 : i32
      %dma_start3A_288 = arith.constant 0 : i32
      %dma_start3A_289 = arith.constant 0 : i32
      %dma_start3A_290 = tpu.memref_slice %arg8[%dma_start3A_285, %dma_start3A_286, %dma_start3A_288, %dma_start3A_289] : memref<2x4x8x128xf32, #tpu.memory_space<vmem>> -> memref<1x1x8x128xf32, #tpu.memory_space<vmem>>
      %dma_start3A_291 = tpu.memref_squeeze %dma_start3A_290 : memref<1x1x8x128xf32, #tpu.memory_space<vmem>> -> memref<8x128xf32, #tpu.memory_space<vmem>>
      %dma_start3A_292 = arith.constant 0 : i32
      %dma_start3A_293 = arith.constant 0 : i32
      %dma_start3A_294 = tpu.memref_slice %arg4[%shift_right_logical3A_263, %dma_start3A_287, %and3A_265, %dma_start3A_292, %dma_start3A_293] : memref<50x4x128x8x128xf32, #tpu.memory_space<hbm>> -> memref<1x1x1x8x128xf32, #tpu.memory_space<hbm>>
      %dma_start3A_295 = tpu.memref_squeeze %dma_start3A_294 : memref<1x1x1x8x128xf32, #tpu.memory_space<hbm>> -> memref<8x128xf32, #tpu.memory_space<hbm>>
      %dma_start3A_296 = arith.constant 0 : i32
      %dma_start3A_297 = arith.constant 0 : i32
      %dma_start3A_298 = tpu.memref_slice %arg4[%shift_right_logical3A_263, %dma_start3A_287, %and3A_265, %dma_start3A_296, %dma_start3A_297] : memref<50x4x128x8x128xf32, #tpu.memory_space<hbm>> -> memref<1x1x1x8x128xf32, #tpu.memory_space<hbm>>
      %dma_start3A_299 = tpu.memref_squeeze %dma_start3A_298 : memref<1x1x1x8x128xf32, #tpu.memory_space<hbm>> -> memref<8x128xf32, #tpu.memory_space<hbm>>
      %dma_start3A_300 = arith.constant 0 : i32
      %dma_start3A_301 = arith.constant 0 : i32
      %dma_start3A_302 = tpu.memref_slice %arg8[%dma_start3A_285, %dma_start3A_286, %dma_start3A_300, %dma_start3A_301] : memref<2x4x8x128xf32, #tpu.memory_space<vmem>> -> memref<1x1x8x128xf32, #tpu.memory_space<vmem>>
      %dma_start3A_303 = tpu.memref_squeeze %dma_start3A_302 : memref<1x1x8x128xf32, #tpu.memory_space<vmem>> -> memref<8x128xf32, #tpu.memory_space<vmem>>
      tpu.enqueue_dma source(%dma_start3A_303 : memref<8x128xf32, #tpu.memory_space<vmem>>) target(%dma_start3A_299 : memref<8x128xf32, #tpu.memory_space<hbm>>) target_semaphore(%arg11 : memref<!tpu.dma_semaphore, #tpu.memory_space<semaphore_mem>>)
      %dma_start3A_304 = arith.constant 0 : i32
      %dma_start3A_305 = arith.constant 2 : i32
      %dma_start3A_306 = arith.constant 2 : i32
      %dma_start3A_307 = arith.constant 0 : i32
      %dma_start3A_308 = arith.constant 0 : i32
      %dma_start3A_309 = tpu.memref_slice %arg8[%dma_start3A_304, %dma_start3A_305, %dma_start3A_307, %dma_start3A_308] : memref<2x4x8x128xf32, #tpu.memory_space<vmem>> -> memref<1x1x8x128xf32, #tpu.memory_space<vmem>>
      %dma_start3A_310 = tpu.memref_squeeze %dma_start3A_309 : memref<1x1x8x128xf32, #tpu.memory_space<vmem>> -> memref<8x128xf32, #tpu.memory_space<vmem>>
      %dma_start3A_311 = arith.constant 0 : i32
      %dma_start3A_312 = arith.constant 0 : i32
      %dma_start3A_313 = tpu.memref_slice %arg4[%shift_right_logical3A_263, %dma_start3A_306, %and3A_265, %dma_start3A_311, %dma_start3A_312] : memref<50x4x128x8x128xf32, #tpu.memory_space<hbm>> -> memref<1x1x1x8x128xf32, #tpu.memory_space<hbm>>
      %dma_start3A_314 = tpu.memref_squeeze %dma_start3A_313 : memref<1x1x1x8x128xf32, #tpu.memory_space<hbm>> -> memref<8x128xf32, #tpu.memory_space<hbm>>
      %dma_start3A_315 = arith.constant 0 : i32
      %dma_start3A_316 = arith.constant 0 : i32
      %dma_start3A_317 = tpu.memref_slice %arg4[%shift_right_logical3A_263, %dma_start3A_306, %and3A_265, %dma_start3A_315, %dma_start3A_316] : memref<50x4x128x8x128xf32, #tpu.memory_space<hbm>> -> memref<1x1x1x8x128xf32, #tpu.memory_space<hbm>>
      %dma_start3A_318 = tpu.memref_squeeze %dma_start3A_317 : memref<1x1x1x8x128xf32, #tpu.memory_space<hbm>> -> memref<8x128xf32, #tpu.memory_space<hbm>>
      %dma_start3A_319 = arith.constant 0 : i32
      %dma_start3A_320 = arith.constant 0 : i32
      %dma_start3A_321 = tpu.memref_slice %arg8[%dma_start3A_304, %dma_start3A_305, %dma_start3A_319, %dma_start3A_320] : memref<2x4x8x128xf32, #tpu.memory_space<vmem>> -> memref<1x1x8x128xf32, #tpu.memory_space<vmem>>
      %dma_start3A_322 = tpu.memref_squeeze %dma_start3A_321 : memref<1x1x8x128xf32, #tpu.memory_space<vmem>> -> memref<8x128xf32, #tpu.memory_space<vmem>>
      tpu.enqueue_dma source(%dma_start3A_322 : memref<8x128xf32, #tpu.memory_space<vmem>>) target(%dma_start3A_318 : memref<8x128xf32, #tpu.memory_space<hbm>>) target_semaphore(%arg11 : memref<!tpu.dma_semaphore, #tpu.memory_space<semaphore_mem>>)
      %dma_start3A_323 = arith.constant 0 : i32
      %dma_start3A_324 = arith.constant 3 : i32
      %dma_start3A_325 = arith.constant 3 : i32
      %dma_start3A_326 = arith.constant 0 : i32
      %dma_start3A_327 = arith.constant 0 : i32
      %dma_start3A_328 = tpu.memref_slice %arg8[%dma_start3A_323, %dma_start3A_324, %dma_start3A_326, %dma_start3A_327] : memref<2x4x8x128xf32, #tpu.memory_space<vmem>> -> memref<1x1x8x128xf32, #tpu.memory_space<vmem>>
      %dma_start3A_329 = tpu.memref_squeeze %dma_start3A_328 : memref<1x1x8x128xf32, #tpu.memory_space<vmem>> -> memref<8x128xf32, #tpu.memory_space<vmem>>
      %dma_start3A_330 = arith.constant 0 : i32
      %dma_start3A_331 = arith.constant 0 : i32
      %dma_start3A_332 = tpu.memref_slice %arg4[%shift_right_logical3A_263, %dma_start3A_325, %and3A_265, %dma_start3A_330, %dma_start3A_331] : memref<50x4x128x8x128xf32, #tpu.memory_space<hbm>> -> memref<1x1x1x8x128xf32, #tpu.memory_space<hbm>>
      %dma_start3A_333 = tpu.memref_squeeze %dma_start3A_332 : memref<1x1x1x8x128xf32, #tpu.memory_space<hbm>> -> memref<8x128xf32, #tpu.memory_space<hbm>>
      %dma_start3A_334 = arith.constant 0 : i32
      %dma_start3A_335 = arith.constant 0 : i32
      %dma_start3A_336 = tpu.memref_slice %arg4[%shift_right_logical3A_263, %dma_start3A_325, %and3A_265, %dma_start3A_334, %dma_start3A_335] : memref<50x4x128x8x128xf32, #tpu.memory_space<hbm>> -> memref<1x1x1x8x128xf32, #tpu.memory_space<hbm>>
      %dma_start3A_337 = tpu.memref_squeeze %dma_start3A_336 : memref<1x1x1x8x128xf32, #tpu.memory_space<hbm>> -> memref<8x128xf32, #tpu.memory_space<hbm>>
      %dma_start3A_338 = arith.constant 0 : i32
      %dma_start3A_339 = arith.constant 0 : i32
      %dma_start3A_340 = tpu.memref_slice %arg8[%dma_start3A_323, %dma_start3A_324, %dma_start3A_338, %dma_start3A_339] : memref<2x4x8x128xf32, #tpu.memory_space<vmem>> -> memref<1x1x8x128xf32, #tpu.memory_space<vmem>>
      %dma_start3A_341 = tpu.memref_squeeze %dma_start3A_340 : memref<1x1x8x128xf32, #tpu.memory_space<vmem>> -> memref<8x128xf32, #tpu.memory_space<vmem>>
      tpu.enqueue_dma source(%dma_start3A_341 : memref<8x128xf32, #tpu.memory_space<vmem>>) target(%dma_start3A_337 : memref<8x128xf32, #tpu.memory_space<hbm>>) target_semaphore(%arg11 : memref<!tpu.dma_semaphore, #tpu.memory_space<semaphore_mem>>)
      %mul3A_342 = arith.constant 2 : i32
      %mul3A_343 = arith.muli %mul3A_342, %scan3A_234 : i32
      %add3A_344 = arith.constant 1 : i32
      %add3A_345 = arith.addi %mul3A_343, %add3A_344 : i32
      %dma_wait3A_346 = arith.constant 0 : i32
      %dma_wait3A_347 = arith.constant 1 : i32
      %dma_wait3A_348 = arith.constant 0 : i32
      %dma_wait3A_349 = arith.constant 0 : i32
      %dma_wait3A_350 = tpu.memref_slice %arg6[%dma_wait3A_347, %dma_wait3A_348, %dma_wait3A_349] : memref<2x128x32xf32, #tpu.memory_space<vmem>> -> memref<1x128x32xf32, #tpu.memory_space<vmem>>
      %dma_wait3A_351 = tpu.memref_squeeze %dma_wait3A_350 : memref<1x128x32xf32, #tpu.memory_space<vmem>> -> memref<128x32xf32, #tpu.memory_space<vmem>>
      %dma_wait3A_352 = arith.constant 0 : i32
      %dma_wait3A_353 = tpu.memref_slice %arg5[%dma_wait3A_346, %dma_wait3A_352] : memref<200x128xi32, #tpu.memory_space<vmem>> -> memref<1x128xi32, #tpu.memory_space<vmem>>
      %dma_wait3A_354 = tpu.memref_squeeze %dma_wait3A_353 : memref<1x128xi32, #tpu.memory_space<vmem>> -> memref<128xi32, #tpu.memory_space<vmem>>
      %dma_wait3A_355 = arith.constant 0 : i32
      %dma_wait3A_356 = arith.constant 0 : i32
      %dma_wait3A_357 = tpu.memref_slice %arg3[%dma_wait3A_355, %dma_wait3A_356] : memref<1000000x32xf32, #tpu.memory_space<hbm>> -> memref<1000000x32xf32, #tpu.memory_space<hbm>>
      tpu.wait_indirect_dma semaphore(%arg10 : memref<!tpu.dma_semaphore, #tpu.memory_space<semaphore_mem>>) src(%dma_wait3A_357 : memref<1000000x32xf32, #tpu.memory_space<hbm>>) dst(%dma_wait3A_351 : memref<128x32xf32, #tpu.memory_space<vmem>>)
      %ge3A_358 = arith.constant 1 : i32
      %ge3A_359 = arith.cmpi sge, %add3A_345, %ge3A_358 : i32
      %lt3A_360 = arith.constant 199 : i32
      %lt3A_361 = arith.cmpi slt, %add3A_345, %lt3A_360 : i32
      %and3A_362 = arith.andi %ge3A_359, %lt3A_361 : i1
      %convert_element_type3A_363 = arith.extui %and3A_362 : i1 to i32
      %cond3A_364 = arith.constant 0 : i32
      %cond3A_365 = arith.cmpi ne, %convert_element_type3A_363, %cond3A_364 : i32
      scf.if %cond3A_365 {
        %dma_wait3A_458 = arith.constant 0 : i32
        %dma_wait3A_459 = arith.constant 0 : i32
        %dma_wait3A_460 = arith.constant 0 : i32
        %dma_wait3A_461 = arith.constant 0 : i32
        %dma_wait3A_462 = arith.constant 0 : i32
        %dma_wait3A_463 = arith.constant 0 : i32
        %dma_wait3A_464 = arith.constant 0 : i32
        %dma_wait3A_465 = tpu.memref_slice %arg8[%dma_wait3A_458, %dma_wait3A_459, %dma_wait3A_463, %dma_wait3A_464] : memref<2x4x8x128xf32, #tpu.memory_space<vmem>> -> memref<1x1x8x128xf32, #tpu.memory_space<vmem>>
        %dma_wait3A_466 = tpu.memref_squeeze %dma_wait3A_465 : memref<1x1x8x128xf32, #tpu.memory_space<vmem>> -> memref<8x128xf32, #tpu.memory_space<vmem>>
        %dma_wait3A_467 = arith.constant 0 : i32
        %dma_wait3A_468 = arith.constant 0 : i32
        %dma_wait3A_469 = tpu.memref_slice %arg4[%dma_wait3A_460, %dma_wait3A_461, %dma_wait3A_462, %dma_wait3A_467, %dma_wait3A_468] : memref<50x4x128x8x128xf32, #tpu.memory_space<hbm>> -> memref<1x1x1x8x128xf32, #tpu.memory_space<hbm>>
        %dma_wait3A_470 = tpu.memref_squeeze %dma_wait3A_469 : memref<1x1x1x8x128xf32, #tpu.memory_space<hbm>> -> memref<8x128xf32, #tpu.memory_space<hbm>>
        %dma_wait3A_471 = arith.constant 0 : i32
        %dma_wait3A_472 = arith.constant 0 : i32
        %dma_wait3A_473 = tpu.memref_slice %arg4[%dma_wait3A_460, %dma_wait3A_461, %dma_wait3A_462, %dma_wait3A_471, %dma_wait3A_472] : memref<50x4x128x8x128xf32, #tpu.memory_space<hbm>> -> memref<1x1x1x8x128xf32, #tpu.memory_space<hbm>>
        %dma_wait3A_474 = tpu.memref_squeeze %dma_wait3A_473 : memref<1x1x1x8x128xf32, #tpu.memory_space<hbm>> -> memref<8x128xf32, #tpu.memory_space<hbm>>
        %dma_wait3A_475 = arith.constant 0 : i32
        %dma_wait3A_476 = arith.constant 0 : i32
        %dma_wait3A_477 = tpu.memref_slice %arg8[%dma_wait3A_458, %dma_wait3A_459, %dma_wait3A_475, %dma_wait3A_476] : memref<2x4x8x128xf32, #tpu.memory_space<vmem>> -> memref<1x1x8x128xf32, #tpu.memory_space<vmem>>
        %dma_wait3A_478 = tpu.memref_squeeze %dma_wait3A_477 : memref<1x1x8x128xf32, #tpu.memory_space<vmem>> -> memref<8x128xf32, #tpu.memory_space<vmem>>
        tpu.wait_dma2 semaphore(%arg11 : memref<!tpu.dma_semaphore, #tpu.memory_space<semaphore_mem>>) src(%dma_wait3A_478 : memref<8x128xf32, #tpu.memory_space<vmem>>) dst(%dma_wait3A_474 : memref<8x128xf32, #tpu.memory_space<hbm>>)
        %dma_wait3A_479 = arith.constant 0 : i32
        %dma_wait3A_480 = arith.constant 1 : i32
        %dma_wait3A_481 = arith.constant 0 : i32
        %dma_wait3A_482 = arith.constant 1 : i32
        %dma_wait3A_483 = arith.constant 0 : i32
        %dma_wait3A_484 = arith.constant 0 : i32
        %dma_wait3A_485 = arith.constant 0 : i32
        %dma_wait3A_486 = tpu.memref_slice %arg8[%dma_wait3A_479, %dma_wait3A_480, %dma_wait3A_484, %dma_wait3A_485] : memref<2x4x8x128xf32, #tpu.memory_space<vmem>> -> memref<1x1x8x128xf32, #tpu.memory_space<vmem>>
        %dma_wait3A_487 = tpu.memref_squeeze %dma_wait3A_486 : memref<1x1x8x128xf32, #tpu.memory_space<vmem>> -> memref<8x128xf32, #tpu.memory_space<vmem>>
        %dma_wait3A_488 = arith.constant 0 : i32
        %dma_wait3A_489 = arith.constant 0 : i32
        %dma_wait3A_490 = tpu.memref_slice %arg4[%dma_wait3A_481, %dma_wait3A_482, %dma_wait3A_483, %dma_wait3A_488, %dma_wait3A_489] : memref<50x4x128x8x128xf32, #tpu.memory_space<hbm>> -> memref<1x1x1x8x128xf32, #tpu.memory_space<hbm>>
        %dma_wait3A_491 = tpu.memref_squeeze %dma_wait3A_490 : memref<1x1x1x8x128xf32, #tpu.memory_space<hbm>> -> memref<8x128xf32, #tpu.memory_space<hbm>>
        %dma_wait3A_492 = arith.constant 0 : i32
        %dma_wait3A_493 = arith.constant 0 : i32
        %dma_wait3A_494 = tpu.memref_slice %arg4[%dma_wait3A_481, %dma_wait3A_482, %dma_wait3A_483, %dma_wait3A_492, %dma_wait3A_493] : memref<50x4x128x8x128xf32, #tpu.memory_space<hbm>> -> memref<1x1x1x8x128xf32, #tpu.memory_space<hbm>>
        %dma_wait3A_495 = tpu.memref_squeeze %dma_wait3A_494 : memref<1x1x1x8x128xf32, #tpu.memory_space<hbm>> -> memref<8x128xf32, #tpu.memory_space<hbm>>
        %dma_wait3A_496 = arith.constant 0 : i32
        %dma_wait3A_497 = arith.constant 0 : i32
        %dma_wait3A_498 = tpu.memref_slice %arg8[%dma_wait3A_479, %dma_wait3A_480, %dma_wait3A_496, %dma_wait3A_497] : memref<2x4x8x128xf32, #tpu.memory_space<vmem>> -> memref<1x1x8x128xf32, #tpu.memory_space<vmem>>
        %dma_wait3A_499 = tpu.memref_squeeze %dma_wait3A_498 : memref<1x1x8x128xf32, #tpu.memory_space<vmem>> -> memref<8x128xf32, #tpu.memory_space<vmem>>
        tpu.wait_dma2 semaphore(%arg11 : memref<!tpu.dma_semaphore, #tpu.memory_space<semaphore_mem>>) src(%dma_wait3A_499 : memref<8x128xf32, #tpu.memory_space<vmem>>) dst(%dma_wait3A_495 : memref<8x128xf32, #tpu.memory_space<hbm>>)
        %dma_wait3A_500 = arith.constant 0 : i32
        %dma_wait3A_501 = arith.constant 2 : i32
        %dma_wait3A_502 = arith.constant 0 : i32
        %dma_wait3A_503 = arith.constant 2 : i32
        %dma_wait3A_504 = arith.constant 0 : i32
        %dma_wait3A_505 = arith.constant 0 : i32
        %dma_wait3A_506 = arith.constant 0 : i32
        %dma_wait3A_507 = tpu.memref_slice %arg8[%dma_wait3A_500, %dma_wait3A_501, %dma_wait3A_505, %dma_wait3A_506] : memref<2x4x8x128xf32, #tpu.memory_space<vmem>> -> memref<1x1x8x128xf32, #tpu.memory_space<vmem>>
        %dma_wait3A_508 = tpu.memref_squeeze %dma_wait3A_507 : memref<1x1x8x128xf32, #tpu.memory_space<vmem>> -> memref<8x128xf32, #tpu.memory_space<vmem>>
        %dma_wait3A_509 = arith.constant 0 : i32
        %dma_wait3A_510 = arith.constant 0 : i32
        %dma_wait3A_511 = tpu.memref_slice %arg4[%dma_wait3A_502, %dma_wait3A_503, %dma_wait3A_504, %dma_wait3A_509, %dma_wait3A_510] : memref<50x4x128x8x128xf32, #tpu.memory_space<hbm>> -> memref<1x1x1x8x128xf32, #tpu.memory_space<hbm>>
        %dma_wait3A_512 = tpu.memref_squeeze %dma_wait3A_511 : memref<1x1x1x8x128xf32, #tpu.memory_space<hbm>> -> memref<8x128xf32, #tpu.memory_space<hbm>>
        %dma_wait3A_513 = arith.constant 0 : i32
        %dma_wait3A_514 = arith.constant 0 : i32
        %dma_wait3A_515 = tpu.memref_slice %arg4[%dma_wait3A_502, %dma_wait3A_503, %dma_wait3A_504, %dma_wait3A_513, %dma_wait3A_514] : memref<50x4x128x8x128xf32, #tpu.memory_space<hbm>> -> memref<1x1x1x8x128xf32, #tpu.memory_space<hbm>>
        %dma_wait3A_516 = tpu.memref_squeeze %dma_wait3A_515 : memref<1x1x1x8x128xf32, #tpu.memory_space<hbm>> -> memref<8x128xf32, #tpu.memory_space<hbm>>
        %dma_wait3A_517 = arith.constant 0 : i32
        %dma_wait3A_518 = arith.constant 0 : i32
        %dma_wait3A_519 = tpu.memref_slice %arg8[%dma_wait3A_500, %dma_wait3A_501, %dma_wait3A_517, %dma_wait3A_518] : memref<2x4x8x128xf32, #tpu.memory_space<vmem>> -> memref<1x1x8x128xf32, #tpu.memory_space<vmem>>
        %dma_wait3A_520 = tpu.memref_squeeze %dma_wait3A_519 : memref<1x1x8x128xf32, #tpu.memory_space<vmem>> -> memref<8x128xf32, #tpu.memory_space<vmem>>
        tpu.wait_dma2 semaphore(%arg11 : memref<!tpu.dma_semaphore, #tpu.memory_space<semaphore_mem>>) src(%dma_wait3A_520 : memref<8x128xf32, #tpu.memory_space<vmem>>) dst(%dma_wait3A_516 : memref<8x128xf32, #tpu.memory_space<hbm>>)
        %dma_wait3A_521 = arith.constant 0 : i32
        %dma_wait3A_522 = arith.constant 3 : i32
        %dma_wait3A_523 = arith.constant 0 : i32
        %dma_wait3A_524 = arith.constant 3 : i32
        %dma_wait3A_525 = arith.constant 0 : i32
        %dma_wait3A_526 = arith.constant 0 : i32
        %dma_wait3A_527 = arith.constant 0 : i32
        %dma_wait3A_528 = tpu.memref_slice %arg8[%dma_wait3A_521, %dma_wait3A_522, %dma_wait3A_526, %dma_wait3A_527] : memref<2x4x8x128xf32, #tpu.memory_space<vmem>> -> memref<1x1x8x128xf32, #tpu.memory_space<vmem>>
        %dma_wait3A_529 = tpu.memref_squeeze %dma_wait3A_528 : memref<1x1x8x128xf32, #tpu.memory_space<vmem>> -> memref<8x128xf32, #tpu.memory_space<vmem>>
        %dma_wait3A_530 = arith.constant 0 : i32
        %dma_wait3A_531 = arith.constant 0 : i32
        %dma_wait3A_532 = tpu.memref_slice %arg4[%dma_wait3A_523, %dma_wait3A_524, %dma_wait3A_525, %dma_wait3A_530, %dma_wait3A_531] : memref<50x4x128x8x128xf32, #tpu.memory_space<hbm>> -> memref<1x1x1x8x128xf32, #tpu.memory_space<hbm>>
        %dma_wait3A_533 = tpu.memref_squeeze %dma_wait3A_532 : memref<1x1x1x8x128xf32, #tpu.memory_space<hbm>> -> memref<8x128xf32, #tpu.memory_space<hbm>>
        %dma_wait3A_534 = arith.constant 0 : i32
        %dma_wait3A_535 = arith.constant 0 : i32
        %dma_wait3A_536 = tpu.memref_slice %arg4[%dma_wait3A_523, %dma_wait3A_524, %dma_wait3A_525, %dma_wait3A_534, %dma_wait3A_535] : memref<50x4x128x8x128xf32, #tpu.memory_space<hbm>> -> memref<1x1x1x8x128xf32, #tpu.memory_space<hbm>>
        %dma_wait3A_537 = tpu.memref_squeeze %dma_wait3A_536 : memref<1x1x1x8x128xf32, #tpu.memory_space<hbm>> -> memref<8x128xf32, #tpu.memory_space<hbm>>
        %dma_wait3A_538 = arith.constant 0 : i32
        %dma_wait3A_539 = arith.constant 0 : i32
        %dma_wait3A_540 = tpu.memref_slice %arg8[%dma_wait3A_521, %dma_wait3A_522, %dma_wait3A_538, %dma_wait3A_539] : memref<2x4x8x128xf32, #tpu.memory_space<vmem>> -> memref<1x1x8x128xf32, #tpu.memory_space<vmem>>
        %dma_wait3A_541 = tpu.memref_squeeze %dma_wait3A_540 : memref<1x1x8x128xf32, #tpu.memory_space<vmem>> -> memref<8x128xf32, #tpu.memory_space<vmem>>
        tpu.wait_dma2 semaphore(%arg11 : memref<!tpu.dma_semaphore, #tpu.memory_space<semaphore_mem>>) src(%dma_wait3A_541 : memref<8x128xf32, #tpu.memory_space<vmem>>) dst(%dma_wait3A_537 : memref<8x128xf32, #tpu.memory_space<hbm>>)
      } else {
      }
      %lt3A_366 = arith.constant 199 : i32
      %lt3A_367 = arith.cmpi slt, %add3A_345, %lt3A_366 : i32
      %convert_element_type3A_368 = arith.extui %lt3A_367 : i1 to i32
      %cond3A_369 = arith.constant 0 : i32
      %cond3A_370 = arith.cmpi ne, %convert_element_type3A_368, %cond3A_369 : i32
      scf.if %cond3A_370 {
        %add3A_458 = arith.constant 1 : i32
        %add3A_459 = arith.addi %add3A_345, %add3A_458 : i32
        %dma_start3A_460 = arith.constant 0 : i32
        %dma_start3A_461 = arith.constant 0 : i32
        %dma_start3A_462 = arith.constant 0 : i32
        %dma_start3A_463 = tpu.memref_slice %arg6[%dma_start3A_460, %dma_start3A_461, %dma_start3A_462] : memref<2x128x32xf32, #tpu.memory_space<vmem>> -> memref<1x128x32xf32, #tpu.memory_space<vmem>>
        %dma_start3A_464 = tpu.memref_squeeze %dma_start3A_463 : memref<1x128x32xf32, #tpu.memory_space<vmem>> -> memref<128x32xf32, #tpu.memory_space<vmem>>
        %dma_start3A_465 = arith.constant 0 : i32
        %dma_start3A_466 = tpu.memref_slice %arg5[%add3A_459, %dma_start3A_465] : memref<200x128xi32, #tpu.memory_space<vmem>> -> memref<1x128xi32, #tpu.memory_space<vmem>>
        %dma_start3A_467 = tpu.memref_squeeze %dma_start3A_466 : memref<1x128xi32, #tpu.memory_space<vmem>> -> memref<128xi32, #tpu.memory_space<vmem>>
        %dma_start3A_468 = arith.constant 0 : i32
        %dma_start3A_469 = arith.constant 0 : i32
        %dma_start3A_470 = tpu.memref_slice %arg3[%dma_start3A_468, %dma_start3A_469] : memref<1000000x32xf32, #tpu.memory_space<hbm>> -> memref<1000000x32xf32, #tpu.memory_space<hbm>>
        tpu.enqueue_indirect_dma source(%dma_start3A_470 : memref<1000000x32xf32, #tpu.memory_space<hbm>>) target(%dma_start3A_464 : memref<128x32xf32, #tpu.memory_space<vmem>>) offsets(%dma_start3A_467 : memref<128xi32, #tpu.memory_space<vmem>>) semaphore(%arg9 : memref<!tpu.dma_semaphore, #tpu.memory_space<semaphore_mem>>)
      } else {
      }
      %parallel_loop3A_371 = arith.constant 0 : i32
      %parallel_loop3A_372 = arith.constant 128 : i32
      %parallel_loop3A_373 = arith.constant 1 : i32
      scf.for %parallel_loop3A_458 = %parallel_loop3A_371 to %parallel_loop3A_372 step %parallel_loop3A_373  : i32 {
        %parallel_loop3A_459 = arith.constant 33 : i32
        %parallel_loop3A_460 = arith.muli %parallel_loop3A_458, %parallel_loop3A_459 : i32
        %parallel_loop3A_461 = arith.constant 1 : i32
        %parallel_loop3A_462 = arith.index_cast %parallel_loop3A_461 : i32 to index
        %parallel_loop3A_463 = arith.index_cast %parallel_loop3A_458 : i32 to index
        %parallel_loop3A_464 = arith.constant 0 : index
        %parallel_loop3A_465 = tpu.vector_load %arg6[%parallel_loop3A_462, %parallel_loop3A_463, %parallel_loop3A_464] {strides = array<i32>} : memref<2x128x32xf32, #tpu.memory_space<vmem>>, vector<16xf32>,
        %parallel_loop3A_466 = arith.constant 1 : i32
        %parallel_loop3A_467 = arith.index_cast %parallel_loop3A_466 : i32 to index
        %parallel_loop3A_468 = arith.index_cast %parallel_loop3A_460 : i32 to index
        %parallel_loop3A_469 = tpu.vector_load %arg7[%parallel_loop3A_467, %parallel_loop3A_468] {strides = array<i32>} : memref<2x4224xf32, #tpu.memory_space<vmem>>, vector<16xf32>,
        tpu.vector_store %arg7[%parallel_loop3A_467, %parallel_loop3A_468], %parallel_loop3A_465 {strides = array<i32>} : memref<2x4224xf32, #tpu.memory_space<vmem>>, vector<16xf32>,
        %parallel_loop3A_470 = arith.constant 1 : i32
        %parallel_loop3A_471 = arith.index_cast %parallel_loop3A_470 : i32 to index
        %parallel_loop3A_472 = arith.index_cast %parallel_loop3A_458 : i32 to index
        %parallel_loop3A_473 = arith.constant 16 : index
        %parallel_loop3A_474 = tpu.vector_load %arg6[%parallel_loop3A_471, %parallel_loop3A_472, %parallel_loop3A_473] {strides = array<i32>} : memref<2x128x32xf32, #tpu.memory_space<vmem>>, vector<16xf32>,
        %parallel_loop3A_475 = arith.constant 16 : i32
        %parallel_loop3A_476 = arith.addi %parallel_loop3A_460, %parallel_loop3A_475 : i32
        %parallel_loop3A_477 = arith.constant 1 : i32
        %parallel_loop3A_478 = arith.index_cast %parallel_loop3A_477 : i32 to index
        %parallel_loop3A_479 = arith.index_cast %parallel_loop3A_476 : i32 to index
        %parallel_loop3A_480 = tpu.vector_load %arg7[%parallel_loop3A_478, %parallel_loop3A_479] {strides = array<i32>} : memref<2x4224xf32, #tpu.memory_space<vmem>>, vector<16xf32>,
        tpu.vector_store %arg7[%parallel_loop3A_478, %parallel_loop3A_479], %parallel_loop3A_474 {strides = array<i32>} : memref<2x4224xf32, #tpu.memory_space<vmem>>, vector<16xf32>,
      } {sc.loop_unroll_factor = 8 : i64, sc.parallel_access}
      %parallel_loop3A_374 = arith.constant 0 : i32
      %parallel_loop3A_375 = arith.constant 32 : i32
      %parallel_loop3A_376 = arith.constant 1 : i32
      scf.for %parallel_loop3A_458 = %parallel_loop3A_374 to %parallel_loop3A_375 step %parallel_loop3A_376  : i32 {
        %parallel_loop3A_459 = arith.constant 3 : i32
        %parallel_loop3A_460 = arith.shrui %parallel_loop3A_458, %parallel_loop3A_459 : i32
        %parallel_loop3A_461 = arith.constant 7 : i32
        %parallel_loop3A_462 = arith.andi %parallel_loop3A_458, %parallel_loop3A_461 : i32
        %parallel_loop3A_463 = vector.broadcast %parallel_loop3A_458 : i32 to vector<16xi32>
        %parallel_loop3A_464 = arith.addi %mul3A_8, %parallel_loop3A_463 : vector<16xi32>
        %parallel_loop3A_465 = arith.constant 1 : i32
        %parallel_loop3A_466 = arith.constant 0 : i32
        %parallel_loop3A_467 = tpu.memref_slice %arg7[%parallel_loop3A_465, %parallel_loop3A_466] : memref<2x4224xf32, #tpu.memory_space<vmem>> -> memref<1x4224xf32, #tpu.memory_space<vmem>>
        %parallel_loop3A_468 = tpu.memref_squeeze %parallel_loop3A_467 : memref<1x4224xf32, #tpu.memory_space<vmem>> -> memref<4224xf32, #tpu.memory_space<vmem>>
        %parallel_loop3A_469 = tpu.vector_load_idx %parallel_loop3A_468[%parallel_loop3A_464] : memref<4224xf32, #tpu.memory_space<vmem>>[vector<16xi32>], vector<16xf32>,
        %parallel_loop3A_470 = arith.constant 1.000000e+01 : f32
        %parallel_loop3A_471 = vector.broadcast %parallel_loop3A_470 : f32 to vector<16xf32>
        %parallel_loop3A_472 = arith.mulf %parallel_loop3A_469, %parallel_loop3A_471 : vector<16xf32>
        %parallel_loop3A_473 = arith.constant 1 : i32
        %parallel_loop3A_474 = arith.index_cast %parallel_loop3A_473 : i32 to index
        %parallel_loop3A_475 = arith.index_cast %parallel_loop3A_460 : i32 to index
        %parallel_loop3A_476 = arith.index_cast %parallel_loop3A_462 : i32 to index
        %parallel_loop3A_477 = arith.constant 0 : index
        %parallel_loop3A_478 = tpu.vector_load %arg8[%parallel_loop3A_474, %parallel_loop3A_475, %parallel_loop3A_476, %parallel_loop3A_477] {strides = array<i32>} : memref<2x4x8x128xf32, #tpu.memory_space<vmem>>, vector<16xf32>,
        tpu.vector_store %arg8[%parallel_loop3A_474, %parallel_loop3A_475, %parallel_loop3A_476, %parallel_loop3A_477], %parallel_loop3A_472 {strides = array<i32>} : memref<2x4x8x128xf32, #tpu.memory_space<vmem>>, vector<16xf32>,
        %parallel_loop3A_479 = vector.broadcast %parallel_loop3A_458 : i32 to vector<16xi32>
        %parallel_loop3A_480 = arith.addi %mul3A_14, %parallel_loop3A_479 : vector<16xi32>
        %parallel_loop3A_481 = arith.constant 1 : i32
        %parallel_loop3A_482 = arith.constant 0 : i32
        %parallel_loop3A_483 = tpu.memref_slice %arg7[%parallel_loop3A_481, %parallel_loop3A_482] : memref<2x4224xf32, #tpu.memory_space<vmem>> -> memref<1x4224xf32, #tpu.memory_space<vmem>>
        %parallel_loop3A_484 = tpu.memref_squeeze %parallel_loop3A_483 : memref<1x4224xf32, #tpu.memory_space<vmem>> -> memref<4224xf32, #tpu.memory_space<vmem>>
        %parallel_loop3A_485 = tpu.vector_load_idx %parallel_loop3A_484[%parallel_loop3A_480] : memref<4224xf32, #tpu.memory_space<vmem>>[vector<16xi32>], vector<16xf32>,
        %parallel_loop3A_486 = arith.constant 1.000000e+01 : f32
        %parallel_loop3A_487 = vector.broadcast %parallel_loop3A_486 : f32 to vector<16xf32>
        %parallel_loop3A_488 = arith.mulf %parallel_loop3A_485, %parallel_loop3A_487 : vector<16xf32>
        %parallel_loop3A_489 = arith.constant 1 : i32
        %parallel_loop3A_490 = arith.index_cast %parallel_loop3A_489 : i32 to index
        %parallel_loop3A_491 = arith.index_cast %parallel_loop3A_460 : i32 to index
        %parallel_loop3A_492 = arith.index_cast %parallel_loop3A_462 : i32 to index
        %parallel_loop3A_493 = arith.constant 16 : index
        %parallel_loop3A_494 = tpu.vector_load %arg8[%parallel_loop3A_490, %parallel_loop3A_491, %parallel_loop3A_492, %parallel_loop3A_493] {strides = array<i32>} : memref<2x4x8x128xf32, #tpu.memory_space<vmem>>, vector<16xf32>,
        tpu.vector_store %arg8[%parallel_loop3A_490, %parallel_loop3A_491, %parallel_loop3A_492, %parallel_loop3A_493], %parallel_loop3A_488 {strides = array<i32>} : memref<2x4x8x128xf32, #tpu.memory_space<vmem>>, vector<16xf32>,
        %parallel_loop3A_495 = vector.broadcast %parallel_loop3A_458 : i32 to vector<16xi32>
        %parallel_loop3A_496 = arith.addi %mul3A_20, %parallel_loop3A_495 : vector<16xi32>
        %parallel_loop3A_497 = arith.constant 1 : i32
        %parallel_loop3A_498 = arith.constant 0 : i32
        %parallel_loop3A_499 = tpu.memref_slice %arg7[%parallel_loop3A_497, %parallel_loop3A_498] : memref<2x4224xf32, #tpu.memory_space<vmem>> -> memref<1x4224xf32, #tpu.memory_space<vmem>>
        %parallel_loop3A_500 = tpu.memref_squeeze %parallel_loop3A_499 : memref<1x4224xf32, #tpu.memory_space<vmem>> -> memref<4224xf32, #tpu.memory_space<vmem>>
        %parallel_loop3A_501 = tpu.vector_load_idx %parallel_loop3A_500[%parallel_loop3A_496] : memref<4224xf32, #tpu.memory_space<vmem>>[vector<16xi32>], vector<16xf32>,
        %parallel_loop3A_502 = arith.constant 1.000000e+01 : f32
        %parallel_loop3A_503 = vector.broadcast %parallel_loop3A_502 : f32 to vector<16xf32>
        %parallel_loop3A_504 = arith.mulf %parallel_loop3A_501, %parallel_loop3A_503 : vector<16xf32>
        %parallel_loop3A_505 = arith.constant 1 : i32
        %parallel_loop3A_506 = arith.index_cast %parallel_loop3A_505 : i32 to index
        %parallel_loop3A_507 = arith.index_cast %parallel_loop3A_460 : i32 to index
        %parallel_loop3A_508 = arith.index_cast %parallel_loop3A_462 : i32 to index
        %parallel_loop3A_509 = arith.constant 32 : index
        %parallel_loop3A_510 = tpu.vector_load %arg8[%parallel_loop3A_506, %parallel_loop3A_507, %parallel_loop3A_508, %parallel_loop3A_509] {strides = array<i32>} : memref<2x4x8x128xf32, #tpu.memory_space<vmem>>, vector<16xf32>,
        tpu.vector_store %arg8[%parallel_loop3A_506, %parallel_loop3A_507, %parallel_loop3A_508, %parallel_loop3A_509], %parallel_loop3A_504 {strides = array<i32>} : memref<2x4x8x128xf32, #tpu.memory_space<vmem>>, vector<16xf32>,
        %parallel_loop3A_511 = vector.broadcast %parallel_loop3A_458 : i32 to vector<16xi32>
        %parallel_loop3A_512 = arith.addi %mul3A_26, %parallel_loop3A_511 : vector<16xi32>
        %parallel_loop3A_513 = arith.constant 1 : i32
        %parallel_loop3A_514 = arith.constant 0 : i32
        %parallel_loop3A_515 = tpu.memref_slice %arg7[%parallel_loop3A_513, %parallel_loop3A_514] : memref<2x4224xf32, #tpu.memory_space<vmem>> -> memref<1x4224xf32, #tpu.memory_space<vmem>>
        %parallel_loop3A_516 = tpu.memref_squeeze %parallel_loop3A_515 : memref<1x4224xf32, #tpu.memory_space<vmem>> -> memref<4224xf32, #tpu.memory_space<vmem>>
        %parallel_loop3A_517 = tpu.vector_load_idx %parallel_loop3A_516[%parallel_loop3A_512] : memref<4224xf32, #tpu.memory_space<vmem>>[vector<16xi32>], vector<16xf32>,
        %parallel_loop3A_518 = arith.constant 1.000000e+01 : f32
        %parallel_loop3A_519 = vector.broadcast %parallel_loop3A_518 : f32 to vector<16xf32>
        %parallel_loop3A_520 = arith.mulf %parallel_loop3A_517, %parallel_loop3A_519 : vector<16xf32>
        %parallel_loop3A_521 = arith.constant 1 : i32
        %parallel_loop3A_522 = arith.index_cast %parallel_loop3A_521 : i32 to index
        %parallel_loop3A_523 = arith.index_cast %parallel_loop3A_460 : i32 to index
        %parallel_loop3A_524 = arith.index_cast %parallel_loop3A_462 : i32 to index
        %parallel_loop3A_525 = arith.constant 48 : index
        %parallel_loop3A_526 = tpu.vector_load %arg8[%parallel_loop3A_522, %parallel_loop3A_523, %parallel_loop3A_524, %parallel_loop3A_525] {strides = array<i32>} : memref<2x4x8x128xf32, #tpu.memory_space<vmem>>, vector<16xf32>,
        tpu.vector_store %arg8[%parallel_loop3A_522, %parallel_loop3A_523, %parallel_loop3A_524, %parallel_loop3A_525], %parallel_loop3A_520 {strides = array<i32>} : memref<2x4x8x128xf32, #tpu.memory_space<vmem>>, vector<16xf32>,
        %parallel_loop3A_527 = vector.broadcast %parallel_loop3A_458 : i32 to vector<16xi32>
        %parallel_loop3A_528 = arith.addi %mul3A_32, %parallel_loop3A_527 : vector<16xi32>
        %parallel_loop3A_529 = arith.constant 1 : i32
        %parallel_loop3A_530 = arith.constant 0 : i32
        %parallel_loop3A_531 = tpu.memref_slice %arg7[%parallel_loop3A_529, %parallel_loop3A_530] : memref<2x4224xf32, #tpu.memory_space<vmem>> -> memref<1x4224xf32, #tpu.memory_space<vmem>>
        %parallel_loop3A_532 = tpu.memref_squeeze %parallel_loop3A_531 : memref<1x4224xf32, #tpu.memory_space<vmem>> -> memref<4224xf32, #tpu.memory_space<vmem>>
        %parallel_loop3A_533 = tpu.vector_load_idx %parallel_loop3A_532[%parallel_loop3A_528] : memref<4224xf32, #tpu.memory_space<vmem>>[vector<16xi32>], vector<16xf32>,
        %parallel_loop3A_534 = arith.constant 1.000000e+01 : f32
        %parallel_loop3A_535 = vector.broadcast %parallel_loop3A_534 : f32 to vector<16xf32>
        %parallel_loop3A_536 = arith.mulf %parallel_loop3A_533, %parallel_loop3A_535 : vector<16xf32>
        %parallel_loop3A_537 = arith.constant 1 : i32
        %parallel_loop3A_538 = arith.index_cast %parallel_loop3A_537 : i32 to index
        %parallel_loop3A_539 = arith.index_cast %parallel_loop3A_460 : i32 to index
        %parallel_loop3A_540 = arith.index_cast %parallel_loop3A_462 : i32 to index
        %parallel_loop3A_541 = arith.constant 64 : index
        %parallel_loop3A_542 = tpu.vector_load %arg8[%parallel_loop3A_538, %parallel_loop3A_539, %parallel_loop3A_540, %parallel_loop3A_541] {strides = array<i32>} : memref<2x4x8x128xf32, #tpu.memory_space<vmem>>, vector<16xf32>,
        tpu.vector_store %arg8[%parallel_loop3A_538, %parallel_loop3A_539, %parallel_loop3A_540, %parallel_loop3A_541], %parallel_loop3A_536 {strides = array<i32>} : memref<2x4x8x128xf32, #tpu.memory_space<vmem>>, vector<16xf32>,
        %parallel_loop3A_543 = vector.broadcast %parallel_loop3A_458 : i32 to vector<16xi32>
        %parallel_loop3A_544 = arith.addi %mul3A_38, %parallel_loop3A_543 : vector<16xi32>
        %parallel_loop3A_545 = arith.constant 1 : i32
        %parallel_loop3A_546 = arith.constant 0 : i32
        %parallel_loop3A_547 = tpu.memref_slice %arg7[%parallel_loop3A_545, %parallel_loop3A_546] : memref<2x4224xf32, #tpu.memory_space<vmem>> -> memref<1x4224xf32, #tpu.memory_space<vmem>>
        %parallel_loop3A_548 = tpu.memref_squeeze %parallel_loop3A_547 : memref<1x4224xf32, #tpu.memory_space<vmem>> -> memref<4224xf32, #tpu.memory_space<vmem>>
        %parallel_loop3A_549 = tpu.vector_load_idx %parallel_loop3A_548[%parallel_loop3A_544] : memref<4224xf32, #tpu.memory_space<vmem>>[vector<16xi32>], vector<16xf32>,
        %parallel_loop3A_550 = arith.constant 1.000000e+01 : f32
        %parallel_loop3A_551 = vector.broadcast %parallel_loop3A_550 : f32 to vector<16xf32>
        %parallel_loop3A_552 = arith.mulf %parallel_loop3A_549, %parallel_loop3A_551 : vector<16xf32>
        %parallel_loop3A_553 = arith.constant 1 : i32
        %parallel_loop3A_554 = arith.index_cast %parallel_loop3A_553 : i32 to index
        %parallel_loop3A_555 = arith.index_cast %parallel_loop3A_460 : i32 to index
        %parallel_loop3A_556 = arith.index_cast %parallel_loop3A_462 : i32 to index
        %parallel_loop3A_557 = arith.constant 80 : index
        %parallel_loop3A_558 = tpu.vector_load %arg8[%parallel_loop3A_554, %parallel_loop3A_555, %parallel_loop3A_556, %parallel_loop3A_557] {strides = array<i32>} : memref<2x4x8x128xf32, #tpu.memory_space<vmem>>, vector<16xf32>,
        tpu.vector_store %arg8[%parallel_loop3A_554, %parallel_loop3A_555, %parallel_loop3A_556, %parallel_loop3A_557], %parallel_loop3A_552 {strides = array<i32>} : memref<2x4x8x128xf32, #tpu.memory_space<vmem>>, vector<16xf32>,
        %parallel_loop3A_559 = vector.broadcast %parallel_loop3A_458 : i32 to vector<16xi32>
        %parallel_loop3A_560 = arith.addi %mul3A_44, %parallel_loop3A_559 : vector<16xi32>
        %parallel_loop3A_561 = arith.constant 1 : i32
        %parallel_loop3A_562 = arith.constant 0 : i32
        %parallel_loop3A_563 = tpu.memref_slice %arg7[%parallel_loop3A_561, %parallel_loop3A_562] : memref<2x4224xf32, #tpu.memory_space<vmem>> -> memref<1x4224xf32, #tpu.memory_space<vmem>>
        %parallel_loop3A_564 = tpu.memref_squeeze %parallel_loop3A_563 : memref<1x4224xf32, #tpu.memory_space<vmem>> -> memref<4224xf32, #tpu.memory_space<vmem>>
        %parallel_loop3A_565 = tpu.vector_load_idx %parallel_loop3A_564[%parallel_loop3A_560] : memref<4224xf32, #tpu.memory_space<vmem>>[vector<16xi32>], vector<16xf32>,
        %parallel_loop3A_566 = arith.constant 1.000000e+01 : f32
        %parallel_loop3A_567 = vector.broadcast %parallel_loop3A_566 : f32 to vector<16xf32>
        %parallel_loop3A_568 = arith.mulf %parallel_loop3A_565, %parallel_loop3A_567 : vector<16xf32>
        %parallel_loop3A_569 = arith.constant 1 : i32
        %parallel_loop3A_570 = arith.index_cast %parallel_loop3A_569 : i32 to index
        %parallel_loop3A_571 = arith.index_cast %parallel_loop3A_460 : i32 to index
        %parallel_loop3A_572 = arith.index_cast %parallel_loop3A_462 : i32 to index
        %parallel_loop3A_573 = arith.constant 96 : index
        %parallel_loop3A_574 = tpu.vector_load %arg8[%parallel_loop3A_570, %parallel_loop3A_571, %parallel_loop3A_572, %parallel_loop3A_573] {strides = array<i32>} : memref<2x4x8x128xf32, #tpu.memory_space<vmem>>, vector<16xf32>,
        tpu.vector_store %arg8[%parallel_loop3A_570, %parallel_loop3A_571, %parallel_loop3A_572, %parallel_loop3A_573], %parallel_loop3A_568 {strides = array<i32>} : memref<2x4x8x128xf32, #tpu.memory_space<vmem>>, vector<16xf32>,
        %parallel_loop3A_575 = vector.broadcast %parallel_loop3A_458 : i32 to vector<16xi32>
        %parallel_loop3A_576 = arith.addi %mul3A_50, %parallel_loop3A_575 : vector<16xi32>
        %parallel_loop3A_577 = arith.constant 1 : i32
        %parallel_loop3A_578 = arith.constant 0 : i32
        %parallel_loop3A_579 = tpu.memref_slice %arg7[%parallel_loop3A_577, %parallel_loop3A_578] : memref<2x4224xf32, #tpu.memory_space<vmem>> -> memref<1x4224xf32, #tpu.memory_space<vmem>>
        %parallel_loop3A_580 = tpu.memref_squeeze %parallel_loop3A_579 : memref<1x4224xf32, #tpu.memory_space<vmem>> -> memref<4224xf32, #tpu.memory_space<vmem>>
        %parallel_loop3A_581 = tpu.vector_load_idx %parallel_loop3A_580[%parallel_loop3A_576] : memref<4224xf32, #tpu.memory_space<vmem>>[vector<16xi32>], vector<16xf32>,
        %parallel_loop3A_582 = arith.constant 1.000000e+01 : f32
        %parallel_loop3A_583 = vector.broadcast %parallel_loop3A_582 : f32 to vector<16xf32>
        %parallel_loop3A_584 = arith.mulf %parallel_loop3A_581, %parallel_loop3A_583 : vector<16xf32>
        %parallel_loop3A_585 = arith.constant 1 : i32
        %parallel_loop3A_586 = arith.index_cast %parallel_loop3A_585 : i32 to index
        %parallel_loop3A_587 = arith.index_cast %parallel_loop3A_460 : i32 to index
        %parallel_loop3A_588 = arith.index_cast %parallel_loop3A_462 : i32 to index
        %parallel_loop3A_589 = arith.constant 112 : index
        %parallel_loop3A_590 = tpu.vector_load %arg8[%parallel_loop3A_586, %parallel_loop3A_587, %parallel_loop3A_588, %parallel_loop3A_589] {strides = array<i32>} : memref<2x4x8x128xf32, #tpu.memory_space<vmem>>, vector<16xf32>,
        tpu.vector_store %arg8[%parallel_loop3A_586, %parallel_loop3A_587, %parallel_loop3A_588, %parallel_loop3A_589], %parallel_loop3A_584 {strides = array<i32>} : memref<2x4x8x128xf32, #tpu.memory_space<vmem>>, vector<16xf32>,
      } {sc.loop_unroll_factor = 4 : i64, sc.parallel_access}
      %add3A_377 = arith.addi %mul3A_2, %add3A_345 : i32
      %shift_right_logical3A_378 = arith.constant 7 : i32
      %shift_right_logical3A_379 = arith.shrui %add3A_377, %shift_right_logical3A_378 : i32
      %and3A_380 = arith.constant 127 : i32
      %and3A_381 = arith.andi %add3A_377, %and3A_380 : i32
      %dma_start3A_382 = arith.constant 1 : i32
      %dma_start3A_383 = arith.constant 0 : i32
      %dma_start3A_384 = arith.constant 0 : i32
      %dma_start3A_385 = arith.constant 0 : i32
      %dma_start3A_386 = arith.constant 0 : i32
      %dma_start3A_387 = tpu.memref_slice %arg8[%dma_start3A_382, %dma_start3A_383, %dma_start3A_385, %dma_start3A_386] : memref<2x4x8x128xf32, #tpu.memory_space<vmem>> -> memref<1x1x8x128xf32, #tpu.memory_space<vmem>>
      %dma_start3A_388 = tpu.memref_squeeze %dma_start3A_387 : memref<1x1x8x128xf32, #tpu.memory_space<vmem>> -> memref<8x128xf32, #tpu.memory_space<vmem>>
      %dma_start3A_389 = arith.constant 0 : i32
      %dma_start3A_390 = arith.constant 0 : i32
      %dma_start3A_391 = tpu.memref_slice %arg4[%shift_right_logical3A_379, %dma_start3A_384, %and3A_381, %dma_start3A_389, %dma_start3A_390] : memref<50x4x128x8x128xf32, #tpu.memory_space<hbm>> -> memref<1x1x1x8x128xf32, #tpu.memory_space<hbm>>
      %dma_start3A_392 = tpu.memref_squeeze %dma_start3A_391 : memref<1x1x1x8x128xf32, #tpu.memory_space<hbm>> -> memref<8x128xf32, #tpu.memory_space<hbm>>
      %dma_start3A_393 = arith.constant 0 : i32
      %dma_start3A_394 = arith.constant 0 : i32
      %dma_start3A_395 = tpu.memref_slice %arg4[%shift_right_logical3A_379, %dma_start3A_384, %and3A_381, %dma_start3A_393, %dma_start3A_394] : memref<50x4x128x8x128xf32, #tpu.memory_space<hbm>> -> memref<1x1x1x8x128xf32, #tpu.memory_space<hbm>>
      %dma_start3A_396 = tpu.memref_squeeze %dma_start3A_395 : memref<1x1x1x8x128xf32, #tpu.memory_space<hbm>> -> memref<8x128xf32, #tpu.memory_space<hbm>>
      %dma_start3A_397 = arith.constant 0 : i32
      %dma_start3A_398 = arith.constant 0 : i32
      %dma_start3A_399 = tpu.memref_slice %arg8[%dma_start3A_382, %dma_start3A_383, %dma_start3A_397, %dma_start3A_398] : memref<2x4x8x128xf32, #tpu.memory_space<vmem>> -> memref<1x1x8x128xf32, #tpu.memory_space<vmem>>
      %dma_start3A_400 = tpu.memref_squeeze %dma_start3A_399 : memref<1x1x8x128xf32, #tpu.memory_space<vmem>> -> memref<8x128xf32, #tpu.memory_space<vmem>>
      tpu.enqueue_dma source(%dma_start3A_400 : memref<8x128xf32, #tpu.memory_space<vmem>>) target(%dma_start3A_396 : memref<8x128xf32, #tpu.memory_space<hbm>>) target_semaphore(%arg12 : memref<!tpu.dma_semaphore, #tpu.memory_space<semaphore_mem>>)
      %dma_start3A_401 = arith.constant 1 : i32
      %dma_start3A_402 = arith.constant 1 : i32
      %dma_start3A_403 = arith.constant 1 : i32
      %dma_start3A_404 = arith.constant 0 : i32
      %dma_start3A_405 = arith.constant 0 : i32
      %dma_start3A_406 = tpu.memref_slice %arg8[%dma_start3A_401, %dma_start3A_402, %dma_start3A_404, %dma_start3A_405] : memref<2x4x8x128xf32, #tpu.memory_space<vmem>> -> memref<1x1x8x128xf32, #tpu.memory_space<vmem>>
      %dma_start3A_407 = tpu.memref_squeeze %dma_start3A_406 : memref<1x1x8x128xf32, #tpu.memory_space<vmem>> -> memref<8x128xf32, #tpu.memory_space<vmem>>
      %dma_start3A_408 = arith.constant 0 : i32
      %dma_start3A_409 = arith.constant 0 : i32
      %dma_start3A_410 = tpu.memref_slice %arg4[%shift_right_logical3A_379, %dma_start3A_403, %and3A_381, %dma_start3A_408, %dma_start3A_409] : memref<50x4x128x8x128xf32, #tpu.memory_space<hbm>> -> memref<1x1x1x8x128xf32, #tpu.memory_space<hbm>>
      %dma_start3A_411 = tpu.memref_squeeze %dma_start3A_410 : memref<1x1x1x8x128xf32, #tpu.memory_space<hbm>> -> memref<8x128xf32, #tpu.memory_space<hbm>>
      %dma_start3A_412 = arith.constant 0 : i32
      %dma_start3A_413 = arith.constant 0 : i32
      %dma_start3A_414 = tpu.memref_slice %arg4[%shift_right_logical3A_379, %dma_start3A_403, %and3A_381, %dma_start3A_412, %dma_start3A_413] : memref<50x4x128x8x128xf32, #tpu.memory_space<hbm>> -> memref<1x1x1x8x128xf32, #tpu.memory_space<hbm>>
      %dma_start3A_415 = tpu.memref_squeeze %dma_start3A_414 : memref<1x1x1x8x128xf32, #tpu.memory_space<hbm>> -> memref<8x128xf32, #tpu.memory_space<hbm>>
      %dma_start3A_416 = arith.constant 0 : i32
      %dma_start3A_417 = arith.constant 0 : i32
      %dma_start3A_418 = tpu.memref_slice %arg8[%dma_start3A_401, %dma_start3A_402, %dma_start3A_416, %dma_start3A_417] : memref<2x4x8x128xf32, #tpu.memory_space<vmem>> -> memref<1x1x8x128xf32, #tpu.memory_space<vmem>>
      %dma_start3A_419 = tpu.memref_squeeze %dma_start3A_418 : memref<1x1x8x128xf32, #tpu.memory_space<vmem>> -> memref<8x128xf32, #tpu.memory_space<vmem>>
      tpu.enqueue_dma source(%dma_start3A_419 : memref<8x128xf32, #tpu.memory_space<vmem>>) target(%dma_start3A_415 : memref<8x128xf32, #tpu.memory_space<hbm>>) target_semaphore(%arg12 : memref<!tpu.dma_semaphore, #tpu.memory_space<semaphore_mem>>)
      %dma_start3A_420 = arith.constant 1 : i32
      %dma_start3A_421 = arith.constant 2 : i32
      %dma_start3A_422 = arith.constant 2 : i32
      %dma_start3A_423 = arith.constant 0 : i32
      %dma_start3A_424 = arith.constant 0 : i32
      %dma_start3A_425 = tpu.memref_slice %arg8[%dma_start3A_420, %dma_start3A_421, %dma_start3A_423, %dma_start3A_424] : memref<2x4x8x128xf32, #tpu.memory_space<vmem>> -> memref<1x1x8x128xf32, #tpu.memory_space<vmem>>
      %dma_start3A_426 = tpu.memref_squeeze %dma_start3A_425 : memref<1x1x8x128xf32, #tpu.memory_space<vmem>> -> memref<8x128xf32, #tpu.memory_space<vmem>>
      %dma_start3A_427 = arith.constant 0 : i32
      %dma_start3A_428 = arith.constant 0 : i32
      %dma_start3A_429 = tpu.memref_slice %arg4[%shift_right_logical3A_379, %dma_start3A_422, %and3A_381, %dma_start3A_427, %dma_start3A_428] : memref<50x4x128x8x128xf32, #tpu.memory_space<hbm>> -> memref<1x1x1x8x128xf32, #tpu.memory_space<hbm>>
      %dma_start3A_430 = tpu.memref_squeeze %dma_start3A_429 : memref<1x1x1x8x128xf32, #tpu.memory_space<hbm>> -> memref<8x128xf32, #tpu.memory_space<hbm>>
      %dma_start3A_431 = arith.constant 0 : i32
      %dma_start3A_432 = arith.constant 0 : i32
      %dma_start3A_433 = tpu.memref_slice %arg4[%shift_right_logical3A_379, %dma_start3A_422, %and3A_381, %dma_start3A_431, %dma_start3A_432] : memref<50x4x128x8x128xf32, #tpu.memory_space<hbm>> -> memref<1x1x1x8x128xf32, #tpu.memory_space<hbm>>
      %dma_start3A_434 = tpu.memref_squeeze %dma_start3A_433 : memref<1x1x1x8x128xf32, #tpu.memory_space<hbm>> -> memref<8x128xf32, #tpu.memory_space<hbm>>
      %dma_start3A_435 = arith.constant 0 : i32
      %dma_start3A_436 = arith.constant 0 : i32
      %dma_start3A_437 = tpu.memref_slice %arg8[%dma_start3A_420, %dma_start3A_421, %dma_start3A_435, %dma_start3A_436] : memref<2x4x8x128xf32, #tpu.memory_space<vmem>> -> memref<1x1x8x128xf32, #tpu.memory_space<vmem>>
      %dma_start3A_438 = tpu.memref_squeeze %dma_start3A_437 : memref<1x1x8x128xf32, #tpu.memory_space<vmem>> -> memref<8x128xf32, #tpu.memory_space<vmem>>
      tpu.enqueue_dma source(%dma_start3A_438 : memref<8x128xf32, #tpu.memory_space<vmem>>) target(%dma_start3A_434 : memref<8x128xf32, #tpu.memory_space<hbm>>) target_semaphore(%arg12 : memref<!tpu.dma_semaphore, #tpu.memory_space<semaphore_mem>>)
      %dma_start3A_439 = arith.constant 1 : i32
      %dma_start3A_440 = arith.constant 3 : i32
      %dma_start3A_441 = arith.constant 3 : i32
      %dma_start3A_442 = arith.constant 0 : i32
      %dma_start3A_443 = arith.constant 0 : i32
      %dma_start3A_444 = tpu.memref_slice %arg8[%dma_start3A_439, %dma_start3A_440, %dma_start3A_442, %dma_start3A_443] : memref<2x4x8x128xf32, #tpu.memory_space<vmem>> -> memref<1x1x8x128xf32, #tpu.memory_space<vmem>>
      %dma_start3A_445 = tpu.memref_squeeze %dma_start3A_444 : memref<1x1x8x128xf32, #tpu.memory_space<vmem>> -> memref<8x128xf32, #tpu.memory_space<vmem>>
      %dma_start3A_446 = arith.constant 0 : i32
      %dma_start3A_447 = arith.constant 0 : i32
      %dma_start3A_448 = tpu.memref_slice %arg4[%shift_right_logical3A_379, %dma_start3A_441, %and3A_381, %dma_start3A_446, %dma_start3A_447] : memref<50x4x128x8x128xf32, #tpu.memory_space<hbm>> -> memref<1x1x1x8x128xf32, #tpu.memory_space<hbm>>
      %dma_start3A_449 = tpu.memref_squeeze %dma_start3A_448 : memref<1x1x1x8x128xf32, #tpu.memory_space<hbm>> -> memref<8x128xf32, #tpu.memory_space<hbm>>
      %dma_start3A_450 = arith.constant 0 : i32
      %dma_start3A_451 = arith.constant 0 : i32
      %dma_start3A_452 = tpu.memref_slice %arg4[%shift_right_logical3A_379, %dma_start3A_441, %and3A_381, %dma_start3A_450, %dma_start3A_451] : memref<50x4x128x8x128xf32, #tpu.memory_space<hbm>> -> memref<1x1x1x8x128xf32, #tpu.memory_space<hbm>>
      %dma_start3A_453 = tpu.memref_squeeze %dma_start3A_452 : memref<1x1x1x8x128xf32, #tpu.memory_space<hbm>> -> memref<8x128xf32, #tpu.memory_space<hbm>>
      %dma_start3A_454 = arith.constant 0 : i32
      %dma_start3A_455 = arith.constant 0 : i32
      %dma_start3A_456 = tpu.memref_slice %arg8[%dma_start3A_439, %dma_start3A_440, %dma_start3A_454, %dma_start3A_455] : memref<2x4x8x128xf32, #tpu.memory_space<vmem>> -> memref<1x1x8x128xf32, #tpu.memory_space<vmem>>
      %dma_start3A_457 = tpu.memref_squeeze %dma_start3A_456 : memref<1x1x8x128xf32, #tpu.memory_space<vmem>> -> memref<8x128xf32, #tpu.memory_space<vmem>>
      tpu.enqueue_dma source(%dma_start3A_457 : memref<8x128xf32, #tpu.memory_space<vmem>>) target(%dma_start3A_453 : memref<8x128xf32, #tpu.memory_space<hbm>>) target_semaphore(%arg12 : memref<!tpu.dma_semaphore, #tpu.memory_space<semaphore_mem>>)
    }
    %scan3A_66 = arith.constant 100 : i32
    %dma_wait3A = arith.constant 0 : i32
    %dma_wait3A_67 = arith.constant 0 : i32
    %dma_wait3A_68 = arith.constant 0 : i32
    %dma_wait3A_69 = arith.constant 0 : i32
    %dma_wait3A_70 = arith.constant 0 : i32
    %dma_wait3A_71 = arith.constant 0 : i32
    %dma_wait3A_72 = arith.constant 0 : i32
    %dma_wait3A_73 = tpu.memref_slice %arg8[%dma_wait3A, %dma_wait3A_67, %dma_wait3A_71, %dma_wait3A_72] : memref<2x4x8x128xf32, #tpu.memory_space<vmem>> -> memref<1x1x8x128xf32, #tpu.memory_space<vmem>>
    %dma_wait3A_74 = tpu.memref_squeeze %dma_wait3A_73 : memref<1x1x8x128xf32, #tpu.memory_space<vmem>> -> memref<8x128xf32, #tpu.memory_space<vmem>>
    %dma_wait3A_75 = arith.constant 0 : i32
    %dma_wait3A_76 = arith.constant 0 : i32
    %dma_wait3A_77 = tpu.memref_slice %arg4[%dma_wait3A_68, %dma_wait3A_69, %dma_wait3A_70, %dma_wait3A_75, %dma_wait3A_76] : memref<50x4x128x8x128xf32, #tpu.memory_space<hbm>> -> memref<1x1x1x8x128xf32, #tpu.memory_space<hbm>>
    %dma_wait3A_78 = tpu.memref_squeeze %dma_wait3A_77 : memref<1x1x1x8x128xf32, #tpu.memory_space<hbm>> -> memref<8x128xf32, #tpu.memory_space<hbm>>
    %dma_wait3A_79 = arith.constant 0 : i32
    %dma_wait3A_80 = arith.constant 0 : i32
    %dma_wait3A_81 = tpu.memref_slice %arg4[%dma_wait3A_68, %dma_wait3A_69, %dma_wait3A_70, %dma_wait3A_79, %dma_wait3A_80] : memref<50x4x128x8x128xf32, #tpu.memory_space<hbm>> -> memref<1x1x1x8x128xf32, #tpu.memory_space<hbm>>
    %dma_wait3A_82 = tpu.memref_squeeze %dma_wait3A_81 : memref<1x1x1x8x128xf32, #tpu.memory_space<hbm>> -> memref<8x128xf32, #tpu.memory_space<hbm>>
    %dma_wait3A_83 = arith.constant 0 : i32
    %dma_wait3A_84 = arith.constant 0 : i32
    %dma_wait3A_85 = tpu.memref_slice %arg8[%dma_wait3A, %dma_wait3A_67, %dma_wait3A_83, %dma_wait3A_84] : memref<2x4x8x128xf32, #tpu.memory_space<vmem>> -> memref<1x1x8x128xf32, #tpu.memory_space<vmem>>
    %dma_wait3A_86 = tpu.memref_squeeze %dma_wait3A_85 : memref<1x1x8x128xf32, #tpu.memory_space<vmem>> -> memref<8x128xf32, #tpu.memory_space<vmem>>
    tpu.wait_dma2 semaphore(%arg11 : memref<!tpu.dma_semaphore, #tpu.memory_space<semaphore_mem>>) src(%dma_wait3A_86 : memref<8x128xf32, #tpu.memory_space<vmem>>) dst(%dma_wait3A_82 : memref<8x128xf32, #tpu.memory_space<hbm>>)
    %dma_wait3A_87 = arith.constant 0 : i32
    %dma_wait3A_88 = arith.constant 1 : i32
    %dma_wait3A_89 = arith.constant 0 : i32
    %dma_wait3A_90 = arith.constant 1 : i32
    %dma_wait3A_91 = arith.constant 0 : i32
    %dma_wait3A_92 = arith.constant 0 : i32
    %dma_wait3A_93 = arith.constant 0 : i32
    %dma_wait3A_94 = tpu.memref_slice %arg8[%dma_wait3A_87, %dma_wait3A_88, %dma_wait3A_92, %dma_wait3A_93] : memref<2x4x8x128xf32, #tpu.memory_space<vmem>> -> memref<1x1x8x128xf32, #tpu.memory_space<vmem>>
    %dma_wait3A_95 = tpu.memref_squeeze %dma_wait3A_94 : memref<1x1x8x128xf32, #tpu.memory_space<vmem>> -> memref<8x128xf32, #tpu.memory_space<vmem>>
    %dma_wait3A_96 = arith.constant 0 : i32
    %dma_wait3A_97 = arith.constant 0 : i32
    %dma_wait3A_98 = tpu.memref_slice %arg4[%dma_wait3A_89, %dma_wait3A_90, %dma_wait3A_91, %dma_wait3A_96, %dma_wait3A_97] : memref<50x4x128x8x128xf32, #tpu.memory_space<hbm>> -> memref<1x1x1x8x128xf32, #tpu.memory_space<hbm>>
    %dma_wait3A_99 = tpu.memref_squeeze %dma_wait3A_98 : memref<1x1x1x8x128xf32, #tpu.memory_space<hbm>> -> memref<8x128xf32, #tpu.memory_space<hbm>>
    %dma_wait3A_100 = arith.constant 0 : i32
    %dma_wait3A_101 = arith.constant 0 : i32
    %dma_wait3A_102 = tpu.memref_slice %arg4[%dma_wait3A_89, %dma_wait3A_90, %dma_wait3A_91, %dma_wait3A_100, %dma_wait3A_101] : memref<50x4x128x8x128xf32, #tpu.memory_space<hbm>> -> memref<1x1x1x8x128xf32, #tpu.memory_space<hbm>>
    %dma_wait3A_103 = tpu.memref_squeeze %dma_wait3A_102 : memref<1x1x1x8x128xf32, #tpu.memory_space<hbm>> -> memref<8x128xf32, #tpu.memory_space<hbm>>
    %dma_wait3A_104 = arith.constant 0 : i32
    %dma_wait3A_105 = arith.constant 0 : i32
    %dma_wait3A_106 = tpu.memref_slice %arg8[%dma_wait3A_87, %dma_wait3A_88, %dma_wait3A_104, %dma_wait3A_105] : memref<2x4x8x128xf32, #tpu.memory_space<vmem>> -> memref<1x1x8x128xf32, #tpu.memory_space<vmem>>
    %dma_wait3A_107 = tpu.memref_squeeze %dma_wait3A_106 : memref<1x1x8x128xf32, #tpu.memory_space<vmem>> -> memref<8x128xf32, #tpu.memory_space<vmem>>
    tpu.wait_dma2 semaphore(%arg11 : memref<!tpu.dma_semaphore, #tpu.memory_space<semaphore_mem>>) src(%dma_wait3A_107 : memref<8x128xf32, #tpu.memory_space<vmem>>) dst(%dma_wait3A_103 : memref<8x128xf32, #tpu.memory_space<hbm>>)
    %dma_wait3A_108 = arith.constant 0 : i32
    %dma_wait3A_109 = arith.constant 2 : i32
    %dma_wait3A_110 = arith.constant 0 : i32
    %dma_wait3A_111 = arith.constant 2 : i32
    %dma_wait3A_112 = arith.constant 0 : i32
    %dma_wait3A_113 = arith.constant 0 : i32
    %dma_wait3A_114 = arith.constant 0 : i32
    %dma_wait3A_115 = tpu.memref_slice %arg8[%dma_wait3A_108, %dma_wait3A_109, %dma_wait3A_113, %dma_wait3A_114] : memref<2x4x8x128xf32, #tpu.memory_space<vmem>> -> memref<1x1x8x128xf32, #tpu.memory_space<vmem>>
    %dma_wait3A_116 = tpu.memref_squeeze %dma_wait3A_115 : memref<1x1x8x128xf32, #tpu.memory_space<vmem>> -> memref<8x128xf32, #tpu.memory_space<vmem>>
    %dma_wait3A_117 = arith.constant 0 : i32
    %dma_wait3A_118 = arith.constant 0 : i32
    %dma_wait3A_119 = tpu.memref_slice %arg4[%dma_wait3A_110, %dma_wait3A_111, %dma_wait3A_112, %dma_wait3A_117, %dma_wait3A_118] : memref<50x4x128x8x128xf32, #tpu.memory_space<hbm>> -> memref<1x1x1x8x128xf32, #tpu.memory_space<hbm>>
    %dma_wait3A_120 = tpu.memref_squeeze %dma_wait3A_119 : memref<1x1x1x8x128xf32, #tpu.memory_space<hbm>> -> memref<8x128xf32, #tpu.memory_space<hbm>>
    %dma_wait3A_121 = arith.constant 0 : i32
    %dma_wait3A_122 = arith.constant 0 : i32
    %dma_wait3A_123 = tpu.memref_slice %arg4[%dma_wait3A_110, %dma_wait3A_111, %dma_wait3A_112, %dma_wait3A_121, %dma_wait3A_122] : memref<50x4x128x8x128xf32, #tpu.memory_space<hbm>> -> memref<1x1x1x8x128xf32, #tpu.memory_space<hbm>>
    %dma_wait3A_124 = tpu.memref_squeeze %dma_wait3A_123 : memref<1x1x1x8x128xf32, #tpu.memory_space<hbm>> -> memref<8x128xf32, #tpu.memory_space<hbm>>
    %dma_wait3A_125 = arith.constant 0 : i32
    %dma_wait3A_126 = arith.constant 0 : i32
    %dma_wait3A_127 = tpu.memref_slice %arg8[%dma_wait3A_108, %dma_wait3A_109, %dma_wait3A_125, %dma_wait3A_126] : memref<2x4x8x128xf32, #tpu.memory_space<vmem>> -> memref<1x1x8x128xf32, #tpu.memory_space<vmem>>
    %dma_wait3A_128 = tpu.memref_squeeze %dma_wait3A_127 : memref<1x1x8x128xf32, #tpu.memory_space<vmem>> -> memref<8x128xf32, #tpu.memory_space<vmem>>
    tpu.wait_dma2 semaphore(%arg11 : memref<!tpu.dma_semaphore, #tpu.memory_space<semaphore_mem>>) src(%dma_wait3A_128 : memref<8x128xf32, #tpu.memory_space<vmem>>) dst(%dma_wait3A_124 : memref<8x128xf32, #tpu.memory_space<hbm>>)
    %dma_wait3A_129 = arith.constant 0 : i32
    %dma_wait3A_130 = arith.constant 3 : i32
    %dma_wait3A_131 = arith.constant 0 : i32
    %dma_wait3A_132 = arith.constant 3 : i32
    %dma_wait3A_133 = arith.constant 0 : i32
    %dma_wait3A_134 = arith.constant 0 : i32
    %dma_wait3A_135 = arith.constant 0 : i32
    %dma_wait3A_136 = tpu.memref_slice %arg8[%dma_wait3A_129, %dma_wait3A_130, %dma_wait3A_134, %dma_wait3A_135] : memref<2x4x8x128xf32, #tpu.memory_space<vmem>> -> memref<1x1x8x128xf32, #tpu.memory_space<vmem>>
    %dma_wait3A_137 = tpu.memref_squeeze %dma_wait3A_136 : memref<1x1x8x128xf32, #tpu.memory_space<vmem>> -> memref<8x128xf32, #tpu.memory_space<vmem>>
    %dma_wait3A_138 = arith.constant 0 : i32
    %dma_wait3A_139 = arith.constant 0 : i32
    %dma_wait3A_140 = tpu.memref_slice %arg4[%dma_wait3A_131, %dma_wait3A_132, %dma_wait3A_133, %dma_wait3A_138, %dma_wait3A_139] : memref<50x4x128x8x128xf32, #tpu.memory_space<hbm>> -> memref<1x1x1x8x128xf32, #tpu.memory_space<hbm>>
    %dma_wait3A_141 = tpu.memref_squeeze %dma_wait3A_140 : memref<1x1x1x8x128xf32, #tpu.memory_space<hbm>> -> memref<8x128xf32, #tpu.memory_space<hbm>>
    %dma_wait3A_142 = arith.constant 0 : i32
    %dma_wait3A_143 = arith.constant 0 : i32
    %dma_wait3A_144 = tpu.memref_slice %arg4[%dma_wait3A_131, %dma_wait3A_132, %dma_wait3A_133, %dma_wait3A_142, %dma_wait3A_143] : memref<50x4x128x8x128xf32, #tpu.memory_space<hbm>> -> memref<1x1x1x8x128xf32, #tpu.memory_space<hbm>>
    %dma_wait3A_145 = tpu.memref_squeeze %dma_wait3A_144 : memref<1x1x1x8x128xf32, #tpu.memory_space<hbm>> -> memref<8x128xf32, #tpu.memory_space<hbm>>
    %dma_wait3A_146 = arith.constant 0 : i32
    %dma_wait3A_147 = arith.constant 0 : i32
    %dma_wait3A_148 = tpu.memref_slice %arg8[%dma_wait3A_129, %dma_wait3A_130, %dma_wait3A_146, %dma_wait3A_147] : memref<2x4x8x128xf32, #tpu.memory_space<vmem>> -> memref<1x1x8x128xf32, #tpu.memory_space<vmem>>
    %dma_wait3A_149 = tpu.memref_squeeze %dma_wait3A_148 : memref<1x1x8x128xf32, #tpu.memory_space<vmem>> -> memref<8x128xf32, #tpu.memory_space<vmem>>
    tpu.wait_dma2 semaphore(%arg11 : memref<!tpu.dma_semaphore, #tpu.memory_space<semaphore_mem>>) src(%dma_wait3A_149 : memref<8x128xf32, #tpu.memory_space<vmem>>) dst(%dma_wait3A_145 : memref<8x128xf32, #tpu.memory_space<hbm>>)
    %dma_wait3A_150 = arith.constant 1 : i32
    %dma_wait3A_151 = arith.constant 0 : i32
    %dma_wait3A_152 = arith.constant 0 : i32
    %dma_wait3A_153 = arith.constant 0 : i32
    %dma_wait3A_154 = arith.constant 0 : i32
    %dma_wait3A_155 = arith.constant 0 : i32
    %dma_wait3A_156 = arith.constant 0 : i32
    %dma_wait3A_157 = tpu.memref_slice %arg8[%dma_wait3A_150, %dma_wait3A_151, %dma_wait3A_155, %dma_wait3A_156] : memref<2x4x8x128xf32, #tpu.memory_space<vmem>> -> memref<1x1x8x128xf32, #tpu.memory_space<vmem>>
    %dma_wait3A_158 = tpu.memref_squeeze %dma_wait3A_157 : memref<1x1x8x128xf32, #tpu.memory_space<vmem>> -> memref<8x128xf32, #tpu.memory_space<vmem>>
    %dma_wait3A_159 = arith.constant 0 : i32
    %dma_wait3A_160 = arith.constant 0 : i32
    %dma_wait3A_161 = tpu.memref_slice %arg4[%dma_wait3A_152, %dma_wait3A_153, %dma_wait3A_154, %dma_wait3A_159, %dma_wait3A_160] : memref<50x4x128x8x128xf32, #tpu.memory_space<hbm>> -> memref<1x1x1x8x128xf32, #tpu.memory_space<hbm>>
    %dma_wait3A_162 = tpu.memref_squeeze %dma_wait3A_161 : memref<1x1x1x8x128xf32, #tpu.memory_space<hbm>> -> memref<8x128xf32, #tpu.memory_space<hbm>>
    %dma_wait3A_163 = arith.constant 0 : i32
    %dma_wait3A_164 = arith.constant 0 : i32
    %dma_wait3A_165 = tpu.memref_slice %arg4[%dma_wait3A_152, %dma_wait3A_153, %dma_wait3A_154, %dma_wait3A_163, %dma_wait3A_164] : memref<50x4x128x8x128xf32, #tpu.memory_space<hbm>> -> memref<1x1x1x8x128xf32, #tpu.memory_space<hbm>>
    %dma_wait3A_166 = tpu.memref_squeeze %dma_wait3A_165 : memref<1x1x1x8x128xf32, #tpu.memory_space<hbm>> -> memref<8x128xf32, #tpu.memory_space<hbm>>
    %dma_wait3A_167 = arith.constant 0 : i32
    %dma_wait3A_168 = arith.constant 0 : i32
    %dma_wait3A_169 = tpu.memref_slice %arg8[%dma_wait3A_150, %dma_wait3A_151, %dma_wait3A_167, %dma_wait3A_168] : memref<2x4x8x128xf32, #tpu.memory_space<vmem>> -> memref<1x1x8x128xf32, #tpu.memory_space<vmem>>
    %dma_wait3A_170 = tpu.memref_squeeze %dma_wait3A_169 : memref<1x1x8x128xf32, #tpu.memory_space<vmem>> -> memref<8x128xf32, #tpu.memory_space<vmem>>
    tpu.wait_dma2 semaphore(%arg12 : memref<!tpu.dma_semaphore, #tpu.memory_space<semaphore_mem>>) src(%dma_wait3A_170 : memref<8x128xf32, #tpu.memory_space<vmem>>) dst(%dma_wait3A_166 : memref<8x128xf32, #tpu.memory_space<hbm>>)
    %dma_wait3A_171 = arith.constant 1 : i32
    %dma_wait3A_172 = arith.constant 1 : i32
    %dma_wait3A_173 = arith.constant 0 : i32
    %dma_wait3A_174 = arith.constant 1 : i32
    %dma_wait3A_175 = arith.constant 0 : i32
    %dma_wait3A_176 = arith.constant 0 : i32
    %dma_wait3A_177 = arith.constant 0 : i32
    %dma_wait3A_178 = tpu.memref_slice %arg8[%dma_wait3A_171, %dma_wait3A_172, %dma_wait3A_176, %dma_wait3A_177] : memref<2x4x8x128xf32, #tpu.memory_space<vmem>> -> memref<1x1x8x128xf32, #tpu.memory_space<vmem>>
    %dma_wait3A_179 = tpu.memref_squeeze %dma_wait3A_178 : memref<1x1x8x128xf32, #tpu.memory_space<vmem>> -> memref<8x128xf32, #tpu.memory_space<vmem>>
    %dma_wait3A_180 = arith.constant 0 : i32
    %dma_wait3A_181 = arith.constant 0 : i32
    %dma_wait3A_182 = tpu.memref_slice %arg4[%dma_wait3A_173, %dma_wait3A_174, %dma_wait3A_175, %dma_wait3A_180, %dma_wait3A_181] : memref<50x4x128x8x128xf32, #tpu.memory_space<hbm>> -> memref<1x1x1x8x128xf32, #tpu.memory_space<hbm>>
    %dma_wait3A_183 = tpu.memref_squeeze %dma_wait3A_182 : memref<1x1x1x8x128xf32, #tpu.memory_space<hbm>> -> memref<8x128xf32, #tpu.memory_space<hbm>>
    %dma_wait3A_184 = arith.constant 0 : i32
    %dma_wait3A_185 = arith.constant 0 : i32
    %dma_wait3A_186 = tpu.memref_slice %arg4[%dma_wait3A_173, %dma_wait3A_174, %dma_wait3A_175, %dma_wait3A_184, %dma_wait3A_185] : memref<50x4x128x8x128xf32, #tpu.memory_space<hbm>> -> memref<1x1x1x8x128xf32, #tpu.memory_space<hbm>>
    %dma_wait3A_187 = tpu.memref_squeeze %dma_wait3A_186 : memref<1x1x1x8x128xf32, #tpu.memory_space<hbm>> -> memref<8x128xf32, #tpu.memory_space<hbm>>
    %dma_wait3A_188 = arith.constant 0 : i32
    %dma_wait3A_189 = arith.constant 0 : i32
    %dma_wait3A_190 = tpu.memref_slice %arg8[%dma_wait3A_171, %dma_wait3A_172, %dma_wait3A_188, %dma_wait3A_189] : memref<2x4x8x128xf32, #tpu.memory_space<vmem>> -> memref<1x1x8x128xf32, #tpu.memory_space<vmem>>
    %dma_wait3A_191 = tpu.memref_squeeze %dma_wait3A_190 : memref<1x1x8x128xf32, #tpu.memory_space<vmem>> -> memref<8x128xf32, #tpu.memory_space<vmem>>
    tpu.wait_dma2 semaphore(%arg12 : memref<!tpu.dma_semaphore, #tpu.memory_space<semaphore_mem>>) src(%dma_wait3A_191 : memref<8x128xf32, #tpu.memory_space<vmem>>) dst(%dma_wait3A_187 : memref<8x128xf32, #tpu.memory_space<hbm>>)
    %dma_wait3A_192 = arith.constant 1 : i32
    %dma_wait3A_193 = arith.constant 2 : i32
    %dma_wait3A_194 = arith.constant 0 : i32
    %dma_wait3A_195 = arith.constant 2 : i32
    %dma_wait3A_196 = arith.constant 0 : i32
    %dma_wait3A_197 = arith.constant 0 : i32
    %dma_wait3A_198 = arith.constant 0 : i32
    %dma_wait3A_199 = tpu.memref_slice %arg8[%dma_wait3A_192, %dma_wait3A_193, %dma_wait3A_197, %dma_wait3A_198] : memref<2x4x8x128xf32, #tpu.memory_space<vmem>> -> memref<1x1x8x128xf32, #tpu.memory_space<vmem>>
    %dma_wait3A_200 = tpu.memref_squeeze %dma_wait3A_199 : memref<1x1x8x128xf32, #tpu.memory_space<vmem>> -> memref<8x128xf32, #tpu.memory_space<vmem>>
    %dma_wait3A_201 = arith.constant 0 : i32
    %dma_wait3A_202 = arith.constant 0 : i32
    %dma_wait3A_203 = tpu.memref_slice %arg4[%dma_wait3A_194, %dma_wait3A_195, %dma_wait3A_196, %dma_wait3A_201, %dma_wait3A_202] : memref<50x4x128x8x128xf32, #tpu.memory_space<hbm>> -> memref<1x1x1x8x128xf32, #tpu.memory_space<hbm>>
    %dma_wait3A_204 = tpu.memref_squeeze %dma_wait3A_203 : memref<1x1x1x8x128xf32, #tpu.memory_space<hbm>> -> memref<8x128xf32, #tpu.memory_space<hbm>>
    %dma_wait3A_205 = arith.constant 0 : i32
    %dma_wait3A_206 = arith.constant 0 : i32
    %dma_wait3A_207 = tpu.memref_slice %arg4[%dma_wait3A_194, %dma_wait3A_195, %dma_wait3A_196, %dma_wait3A_205, %dma_wait3A_206] : memref<50x4x128x8x128xf32, #tpu.memory_space<hbm>> -> memref<1x1x1x8x128xf32, #tpu.memory_space<hbm>>
    %dma_wait3A_208 = tpu.memref_squeeze %dma_wait3A_207 : memref<1x1x1x8x128xf32, #tpu.memory_space<hbm>> -> memref<8x128xf32, #tpu.memory_space<hbm>>
    %dma_wait3A_209 = arith.constant 0 : i32
    %dma_wait3A_210 = arith.constant 0 : i32
    %dma_wait3A_211 = tpu.memref_slice %arg8[%dma_wait3A_192, %dma_wait3A_193, %dma_wait3A_209, %dma_wait3A_210] : memref<2x4x8x128xf32, #tpu.memory_space<vmem>> -> memref<1x1x8x128xf32, #tpu.memory_space<vmem>>
    %dma_wait3A_212 = tpu.memref_squeeze %dma_wait3A_211 : memref<1x1x8x128xf32, #tpu.memory_space<vmem>> -> memref<8x128xf32, #tpu.memory_space<vmem>>
    tpu.wait_dma2 semaphore(%arg12 : memref<!tpu.dma_semaphore, #tpu.memory_space<semaphore_mem>>) src(%dma_wait3A_212 : memref<8x128xf32, #tpu.memory_space<vmem>>) dst(%dma_wait3A_208 : memref<8x128xf32, #tpu.memory_space<hbm>>)
    %dma_wait3A_213 = arith.constant 1 : i32
    %dma_wait3A_214 = arith.constant 3 : i32
    %dma_wait3A_215 = arith.constant 0 : i32
    %dma_wait3A_216 = arith.constant 3 : i32
    %dma_wait3A_217 = arith.constant 0 : i32
    %dma_wait3A_218 = arith.constant 0 : i32
    %dma_wait3A_219 = arith.constant 0 : i32
    %dma_wait3A_220 = tpu.memref_slice %arg8[%dma_wait3A_213, %dma_wait3A_214, %dma_wait3A_218, %dma_wait3A_219] : memref<2x4x8x128xf32, #tpu.memory_space<vmem>> -> memref<1x1x8x128xf32, #tpu.memory_space<vmem>>
    %dma_wait3A_221 = tpu.memref_squeeze %dma_wait3A_220 : memref<1x1x8x128xf32, #tpu.memory_space<vmem>> -> memref<8x128xf32, #tpu.memory_space<vmem>>
    %dma_wait3A_222 = arith.constant 0 : i32
    %dma_wait3A_223 = arith.constant 0 : i32
    %dma_wait3A_224 = tpu.memref_slice %arg4[%dma_wait3A_215, %dma_wait3A_216, %dma_wait3A_217, %dma_wait3A_222, %dma_wait3A_223] : memref<50x4x128x8x128xf32, #tpu.memory_space<hbm>> -> memref<1x1x1x8x128xf32, #tpu.memory_space<hbm>>
    %dma_wait3A_225 = tpu.memref_squeeze %dma_wait3A_224 : memref<1x1x1x8x128xf32, #tpu.memory_space<hbm>> -> memref<8x128xf32, #tpu.memory_space<hbm>>
    %dma_wait3A_226 = arith.constant 0 : i32
    %dma_wait3A_227 = arith.constant 0 : i32
    %dma_wait3A_228 = tpu.memref_slice %arg4[%dma_wait3A_215, %dma_wait3A_216, %dma_wait3A_217, %dma_wait3A_226, %dma_wait3A_227] : memref<50x4x128x8x128xf32, #tpu.memory_space<hbm>> -> memref<1x1x1x8x128xf32, #tpu.memory_space<hbm>>
    %dma_wait3A_229 = tpu.memref_squeeze %dma_wait3A_228 : memref<1x1x1x8x128xf32, #tpu.memory_space<hbm>> -> memref<8x128xf32, #tpu.memory_space<hbm>>
    %dma_wait3A_230 = arith.constant 0 : i32
    %dma_wait3A_231 = arith.constant 0 : i32
    %dma_wait3A_232 = tpu.memref_slice %arg8[%dma_wait3A_213, %dma_wait3A_214, %dma_wait3A_230, %dma_wait3A_231] : memref<2x4x8x128xf32, #tpu.memory_space<vmem>> -> memref<1x1x8x128xf32, #tpu.memory_space<vmem>>
    %dma_wait3A_233 = tpu.memref_squeeze %dma_wait3A_232 : memref<1x1x8x128xf32, #tpu.memory_space<vmem>> -> memref<8x128xf32, #tpu.memory_space<vmem>>
    tpu.wait_dma2 semaphore(%arg12 : memref<!tpu.dma_semaphore, #tpu.memory_space<semaphore_mem>>) src(%dma_wait3A_233 : memref<8x128xf32, #tpu.memory_space<vmem>>) dst(%dma_wait3A_229 : memref<8x128xf32, #tpu.memory_space<hbm>>)
    return
  }
}

</mosaic_0001>

<sc_bundles>
// kernel: _scaled_embedding.3.cloned.1.call-start
scs
__scs_entry_jumppad:
0x0: {  	(pc) =	sbr.rel $0x88, $3  }
0x1: {  	(tag) =	ssettag $0x0;
	lr =	simm.s32 $0x1  }
0x2: {  	[smem:$0x3F9F] =	sst lr;
	_ =	strace $0xD0000000  }
0x3: {  	_ = 	snop  }
0x4: {  	_ = 	snop  }
0x5: {  	_ = 	snop  }
0x6: {  	_ = 	snop  }
0x7: {  	_ = 	snop  }
__scs_overlays_trampoline_lowered:
0x8: {  	[smem:$0x3FAE] =	sst s0  }
0x9: {  	[smem:$0x3FAF] =	sst s1  }
0xa: {  	[smem:$0x3FB0] =	sst s2  }
0xb: {  	[smem:$0x3FB1] =	sst s3  }
0xc: {  	[smem:$0x3FB2] =	sst s4  }
0xd: {  	[smem:$0x3FB3] =	sst s5  }
0xe: {  	[smem:$0x3FB4] =	sst s6  }
0xf: {  	[smem:$0x3FB5] =	sst s7  }
0x10: {  	[smem:$0x3FB6] =	sst s8  }
0x11: {  	[smem:$0x3FB7] =	sst s9;
	s0 =	simm.s32 @!p0 $0x0  }
0x12: {  	s1 =	sld [smem:$0x3F9D];
	s0 =	simm.s32 @p0 $0x1  }
0x13: {  	[smem:$0x3FB8] =	sst s0;
	s0 =	simm.s32 @!p1 $0x0  }
0x14: {  	s2 =	sld [smem:$0x3F9C];
	s0 =	simm.s32 @p1 $0x1  }
0x15: {  	[smem:$0x3FB9] =	sst s0;
	s0 =	simm.s32 @!p2 $0x0  }
0x16: {  	s3 =	sld [smem:$0x3FDB];
	s0 =	simm.s32 @p2 $0x1  }
0x17: {  	s4 =	simm.s32 $0x1BF5;
	[smem:$0x3FBB] =	sst s0  }
0x18: {  	s0 =	sld [smem:$0x3F9E];
	_ =	swait.ge [sflag:s4], $0x0  }
0x19: {  	s7 =	sld [smem:$0x3F9F]  }
0x1a: {  	s8 =	sadd.s32 $0xFFFFE003, lr  }
0x1b: {  	s9 =	sadd.s32 $0xFFFFFEF7, lr;
	s5 =	simm.s32 $0xFFFFFFFF;
	p2 =	slt.u32 s8, $0xFFFFF086  }
0x1c: {  	p1 =	slt.u32 s9, $0xF7A;
	s5 =	simm.s32 @!p2 $0x0  }
0x1d: {  	s5 =	simm.s32 @p1 $0x1;
	p0 =	seq.s32 s7, s2  }
0x1e: {  	s7 =	smul.u32 @!p0 $0xF7A, s2;
	p2 =	seq.s32 @!p0 s5, $0x0  }
0x1f: {  	s9 =	smul.u32 $0xF7A, s1;
	s8 =	simm.s32 @!p0 $0x1BF5;
	p2 =	por !p2, p0  }
0x20: {  	[sflag:s8] =	ssyncset.s32 @!p0 $0xFFFFF086;
	s6 =	sadd.s32 @!p0 s3, s7;
	s7 =	simm.s32 @!p0 $0x108  }
0x21: {  	s3 =	sadd.s32 s3, s9;
	s6 =	sadd.s32 @!p0 $0x88, s6;
	s7 =	simm.s32 @p2 $0x1082  }
0x22: {  	[simem:s7], [sflag:s8] =	dma.local @!p0 [hbm:s6], $0xF7A  }
0x23: {  	s9 =	sor.u32 $0xD0000000, s2;
	s6 =	simm.s32 $0x108;
	_ =	swait.ge @!p0 [sflag:s8], $0x0  }
0x24: {  	s3 =	sadd.s32 $0x88, s3;
	s6 =	simm.s32 @!p1 $0x1082;
	[sflag:s4] =	ssyncset.s32 $0xFFFFF086  }
0x25: {  	[simem:s6], [sflag:s4] =	dma.local [hbm:s3], $0xF7A  }
0x26: {  	[smem:$0x3F9F] =	sst s1;
	(tag) =	ssettag s2;
	_ =	strace s9  }
0x27: {  	s1 =	sld [smem:$0x3FAF]  }
0x28: {  	s2 =	sld [smem:$0x3FB0]  }
0x29: {  	s4 =	sld [smem:$0x3FB2]  }
0x2a: {  	p0 =	seq.s32 s5, $0x0;
	s5 =	sld [smem:$0x3FB3]  }
0x2b: {  	s6 =	sld [smem:$0x3FB4]  }
0x2c: {  	s7 =	sld [smem:$0x3FB5]  }
0x2d: {  	s3 =	simm.s32 $0x108;
	s8 =	sld [smem:$0x3FB6]  }
0x2e: {  	s3 =	simm.s32 @!p0 $0x1082;
	s9 =	sld [smem:$0x3FB7]  }
0x2f: {  	lr =	sadd.s32 s0, s3;
	s0 =	sld [smem:$0x3FAE]  }
0x30: {  	s3 =	sld [smem:$0x3FB1]  }
0x31: {  	[smem:$0x3FBA] =	sst s10  }
0x32: {  	s10 =	sld [smem:$0x3FB8];
	_ =	sdelay $0x3  }
0x33: {  	p0 =	seq.s32 s10, $0x1;
	s10 =	sld [smem:$0x3FBA];
	_ =	sdelay $0x3  }
0x34: {  	[smem:$0x3FBA] =	sst s10  }
0x35: {  	s10 =	sld [smem:$0x3FB9];
	_ =	sdelay $0x3  }
0x36: {  	p1 =	seq.s32 s10, $0x1;
	s10 =	sld [smem:$0x3FBA];
	_ =	sdelay $0x3  }
0x37: {  	[smem:$0x3FBA] =	sst s10  }
0x38: {  	s10 =	sld [smem:$0x3FBB]  }
0x39: {  	_ = 	snop;
	(pc) =	sbr.ind lr, $3  }
0x3a: {  	_ = 	snop  }
0x3b: {  	_ = 	snop  }
0x3c: {  	p2 =	seq.s32 s10, $0x1;
	s10 =	sld [smem:$0x3FBA]  }
0x3d: {  	_ =	shalt  }
0x3e: {  	_ =	shalt  }
0x3f: {  	_ =	shalt  }
0x40: {  	_ =	shalt  }
0x41: {  	_ =	shalt  }
0x42: {  	_ =	shalt  }
0x43: {  	_ =	shalt  }
0x44: {  	_ =	shalt  }
0x45: {  	_ =	shalt  }
0x46: {  	_ =	shalt  }
0x47: {  	_ =	shalt  }
0x48: {  	_ =	shalt  }
0x49: {  	_ =	shalt  }
0x4a: {  	_ =	shalt  }
0x4b: {  	_ =	shalt  }
0x4c: {  	_ =	shalt  }
0x4d: {  	_ =	shalt  }
0x4e: {  	_ =	shalt  }
0x4f: {  	_ =	shalt  }
0x50: {  	_ =	shalt  }
0x51: {  	_ =	shalt  }
0x52: {  	_ =	shalt  }
0x53: {  	_ =	shalt  }
0x54: {  	_ =	shalt  }
0x55: {  	_ =	shalt  }
0x56: {  	_ =	shalt  }
0x57: {  	_ =	shalt  }
0x58: {  	_ =	shalt  }
0x59: {  	_ =	shalt  }
0x5a: {  	_ =	shalt  }
0x5b: {  	_ =	shalt  }
0x5c: {  	_ =	shalt  }
0x5d: {  	_ =	shalt  }
0x5e: {  	_ =	shalt  }
0x5f: {  	_ =	shalt  }
0x60: {  	_ =	shalt  }
0x61: {  	_ =	shalt  }
0x62: {  	_ =	shalt  }
0x63: {  	_ =	shalt  }
0x64: {  	_ =	shalt  }
0x65: {  	_ =	shalt  }
0x66: {  	_ =	shalt  }
0x67: {  	_ =	shalt  }
0x68: {  	_ =	shalt  }
0x69: {  	_ =	shalt  }
0x6a: {  	_ =	shalt  }
0x6b: {  	_ =	shalt  }
0x6c: {  	_ =	shalt  }
0x6d: {  	_ =	shalt  }
0x6e: {  	_ =	shalt  }
0x6f: {  	_ =	shalt  }
0x70: {  	_ =	shalt  }
0x71: {  	_ =	shalt  }
0x72: {  	_ =	shalt  }
0x73: {  	_ =	shalt  }
0x74: {  	_ =	shalt  }
0x75: {  	_ =	shalt  }
0x76: {  	_ =	shalt  }
0x77: {  	_ =	shalt  }
0x78: {  	_ =	shalt  }
0x79: {  	_ =	shalt  }
0x7a: {  	_ =	shalt  }
0x7b: {  	_ =	shalt  }
0x7c: {  	_ =	shalt  }
0x7d: {  	_ =	shalt  }
0x7e: {  	_ =	shalt  }
0x7f: {  	_ =	shalt  }
0x80: {  	_ =	shalt  }
0x81: {  	_ =	shalt  }
0x82: {  	_ =	shalt  }
0x83: {  	_ =	shalt  }
0x84: {  	_ =	shalt  }
0x85: {  	_ =	shalt  }
0x86: {  	_ =	shalt  }
0x87: {  	_ =	shalt  }
.Lfunc_end0:
.L_simem_size_0:
called_computation_lowered:
.L_overlay_start_0:
0x88: {  	s2 =	sld [smem:$0x3FD9]  }
0x89: {  	s3 =	sld [smem:$0x3FFE];
	_ =	sdelay $0x1  }
0x8a: {  	s1 =	srdreg.scid  }
0x8b: {  	s0 =	sand.u32 $0x1, s1  }
0x8c: {  	s17 =	sshll.u32 s0, $0xA;
	s2 =	sadd.s32 s3, s2  }
0x8d: {  	s2 =	sadd.s32 s2, s17  }
0x8e: {  	[smem:$0x3FC6] =	sst s2  }
0x8f: {  	_ = 	snop  }
0x90: {  	s2 =	sld [smem:$0x3FC9]  }
0x91: {  	s18 =	sld [smem:$0x3FD0];
	(tm) =	ssettm $0x1  }
0x92: {  	s4 =	sld [smem:$0x3FFB];
	_ =	sdelay $0x3  }
0x93: {  	_ =	strace s4  }
0x94: {  	s4 =	sld [smem:$0x3FFC];
	_ =	sdelay $0x3  }
0x95: {  	_ =	strace s4  }
0x96: {  	s4 =	sld [smem:$0x3FFD];
	_ =	sdelay $0x3  }
0x97: {  	_ =	strace s4  }
0x98: {  	_ =	strace $0x8FFFFFFF  }
0x99: {  	s19 =	sld [smem:$0x3FDB];
	_ =	sdelay $0x1  }
0x9a: {  	s5 =	simm.s32 $_scs_section_size  }
0x9b: {  	s6 =	simm.s32 $_size__tile_overlayer_lowered;
	s7 =	simm.s32 $_tile_overlayer_lowered  }
0x9c: {  	s22 =	simm.s32 $0x1BFF;
	s21 =	sshll.u32 s7, $0x1;
	s4 =	sadd.s32 s5, s19  }
0x9d: {  	s8 =	simm.s32 $0x0;
	s20 =	sshll.u32 s6, $0x1;
	s6 =	sadd.s32 s21, s4  }
0x9e: {  	[timem:s8], [sflag:s22] =	dma.local [hbm:s6], s20  }
0x9f: {  	_ =	swait.ge [sflag:s22], s20  }
0xa0: {  	s5 =	ssub.s32 $0x0, s20;
	[sflag:s22] =	ssyncset.done $0x0  }
0xa1: {  	[sflag:s22] =	ssyncadd.s32 s5;
	_ =	sdelay $0x1  }
0xa2: {  	s23 =	simm.s32 $0x1B8B  }
0xa3: {  	_ =	swait.ge [sflag:s23], $0x1  }
0xa4: {  	[sflag:s23] =	ssyncset.done $0x0  }
0xa5: {  	s25 =	simm.s32 $0x1B8E;
	s24 =	sld [smem:$0x3FFE];
	[sflag:s23] =	ssyncadd.s32 $0xFFFFFFFF  }
0xa6: {  	s26 =	simm.s32 $execute0_lowered;
	[smem:$0x3FD2] =	sst s25  }
0xa7: {  	s6 =	sshll.u32 s26, $0x1;
	_ =	strace $0x80000046;
	[dreg:$0x1] =	wrdreg $0xFFFFFFFF  }
0xa8: {  	s28 =	simm.s32 $_size_execute0_lowered;
	s4 =	sadd.s32 s4, s6;
	[dreg:$0x0] =	wrdreg $0x0  }
0xa9: {  	s6 =	sshll.u32 s28, $0x1;
	[dreg:$0x2] =	wrdreg s4  }
0xaa: {  	[dreg:$0x3] =	wrdreg s6  }
0xab: {  	[dreg:$0x4] =	wrdreg $0xC0  }
0xac: {  	_ =	task [dreg:s8], $0x5FFFF  }
0xad: {  	[dreg:$0x1] =	wrdreg $0xFFFFFFFF  }
0xae: {  	[dreg:$0x0] =	wrdreg $0x60  }
0xaf: {  	[dreg:$0x2] =	wrdreg s2  }
0xb0: {  	[dreg:$0x3] =	wrdreg s24  }
0xb1: {  	[dreg:$0x4] =	wrdreg s18  }
0xb2: {  	[dreg:$0x5] =	wrdreg $0x9  }
0xb3: {  	_ =	task.clear_ibuf [dreg:s8], $0x6FFFF;
	_ =	strace $0x90000046  }
0xb4: {  	s29 =	simm.s32 $0x9;
	_ =	strace $0x80000048  }
0xb5: {  	_ =	swait.ge [sflag:s29], $0x1  }
0xb6: {  	[sflag:s29] =	ssyncadd.s32 $0xFFFFFFFF  }
0xb7: {  	_ =	strace $0x90000048  }
0xb8: {  	_ =	sfence  }
0xb9: {  	s30 =	sld [smem:$0x0];
	_ =	sdelay $0x2  }
0xba: {  	s31 =	sshll.u32 s1, $0xD;
	s1 =	sshrl.u32 s1, $0x2  }
0xbb: {  	s3 =	sand.u32 $0x4000, s31;
	s1 =	sadd.s32 s1, s30  }
0xbc: {  	s0 =	sor.u32 s3, s0;
	s1 =	sshll.u32 s1, $0x11  }
0xbd: {  	s0 =	sor.u32 s1, s0  }
0xbe: {  	s0 =	sadd.s32 $0x8F2B, s0  }
0xbf: {  	[sflag:s0] =	ssyncadd.remote.s32 $0x1  }
0xc0: {  	_ =	sfence.sel $0xFFFF  }
0xc1: {  	[dreg:$0x0] =	wrdreg $0xFFFFFFFF;
	(pc) =	sbr.abs _section_cstart, $3  }
0xc2: {  	[dreg:$0x1] =	wrdreg $0xFFFFFFFF  }
0xc3: {  	_ =	task.clear_ibuf [dreg:s8], $0x2FFFF;
	_ =	strace $0x9FFFFFFF  }
0xc4: {  	(tm) =	ssettm $0x7FFFFFFF  }
0xc5: {  	_ =	shalt  }
tec
execute0_lowered:
.L_overlay_start_1:
0x0: {  	(tag) =	ssettag $0x1  }
0x1: {  	s0 =	rddreg [dreg:$0x0]  }
0x2: {  	s1 =	rddreg [dreg:$0x1]  }
0x3: {  	s6 =	rddreg [dreg:$0x2]  }
0x4: {  	s2 =	srdreg.scid;
	s3 =	stileid.u32;
	s4 =	simm.s32 $0x0  }
0x5: {  	s2 =	sand.u32 $0x1, s2;
	s3 =	sshll.u32 s3, $0x1;
	[smem:$0x7FF] =	sst s4  }
0x6: {  	s1 =	sadd.s32 $0xF42800, s1;
	s28 =	sadd.s32 $0x4000, s6;
	s24 =	ssub.s32 $0x2, s2  }
0x7: {  	s2 =	sor.u32 s2, s3;
	_ =	strace $0x80000047;
	[dreg:$0x5] =	wrdreg s1  }
0x8: {  	v0 =	vlaneseq.u32;
	s29 =	sadd.s32 $0x8000, s6;
	[dreg:$0x8] =	wrdreg s28;
	s5 =	smul.u32 $0xC80, s2  }
0x9: {  	s30 =	sadd.s32 $0xC000, s6;
	v0 =	vmul.u32 $0x21, v0;
	[dreg:$0x9] =	wrdreg s29;
	s2 =	smul.u32 $0xC8, s2  }
0xa: {  	[dreg:$0xa] =	wrdreg s30;
	s25 =	sshrl.u32 s24, $0x1  }
0xb: {  	v1 =	vadd.s32 $0x210, v0;
	s26 =	ssub.s32 s24, s25;
	[dreg:$0x6] =	wrdreg s2;
	s0 =	sadd.s32 s0, s5  }
0xc: {  	v2 =	vadd.s32 $0x420, v0;
	v3 =	vadd.s32 $0x630, v0;
	v4 =	vadd.s32 $0x840, v0;
	s31 =	smax.u32 s26, $0x1;
	[dreg:$0x7] =	wrdreg s0  }
0xd: {  	s13 =	simm.s32 $0x8400;
	v5 =	vadd.s32 $0xA50, v0;
	v6 =	vadd.s32 $0xC60, v0;
	v7 =	vadd.s32 $0xE70, v0;
	s2 =	simm.s32 $0x0;
	[dreg:$0xb] =	wrdreg s31  }
.LBB2_1:
0xe: {  	[dreg:$0xc] =	wrdreg s2  }
0xf: {  	s0 =	simm.s32 $0x0;
	s1 =	rddreg [dreg:$0x7];
	s29 =	simm.s32 $0x5  }
0x10: {  	[tilespmem:s0], [sflag:$0x5] =	stream.linear.gather [hbm4b:s1+s0], $0x6400, $0x38;
	[tilespmem:$0xC500] =	vst v63  }
0x11: {  	_ =	swait.ge [sflag:s29], $0x6400  }
0x12: {  	s31 =	simm.s32 $0x80;
	s3 =	simm.s32 $0x6400;
	[sflag:s29] =	ssyncset.done $0x0  }
0x13: {  	s2 =	simm.s32 $0x0;
	s30 =	rddreg [dreg:$0x5];
	[sflag:s29] =	ssyncadd.s32 $0xFFFF9C00  }
0x14: {  	[tilespmem:s3], [sflag:$0x1] =	stream.indirect.gather [hbm4b:s30+s31], $0x20, s0, s31, $0xb8;
	[tilespmem:$0xC500] =	vst v63  }
.LBB2_2:
0x15: {  	s1 =	sshll.u32 s2, $0x1;
	s0 =	simm.s32 $0x1  }
0x16: {  	_ =	swait.ge [sflag:s0], $0x1000;
	[dreg:$0xe] =	wrdreg s1;
	s1 =	sadd.s32 $0xFFFFFFFE, s1  }
0x17: {  	[sflag:s0] =	ssyncset.done $0x0;
	p0 =	sgt.u32 s1, $0xC5  }
0x18: {  	[sflag:s0] =	ssyncadd.s32 $0xFFFFF000;
	s1 =	simm.s32 @!p0 $0x4  }
0x19: {  	_ =	swait.ge @!p0 [sflag:s1], $0x400  }
0x1a: {  	[sflag:s1] =	ssyncset.done @!p0 $0x0  }
0x1b: {  	[sflag:s1] =	ssyncadd.s32 @!p0 $0xFFFFFC00  }
0x1c: {  	_ =	swait.ge @!p0 [sflag:s1], $0x400  }
0x1d: {  	[sflag:s1] =	ssyncset.done @!p0 $0x0  }
0x1e: {  	[sflag:s1] =	ssyncadd.s32 @!p0 $0xFFFFFC00  }
0x1f: {  	_ =	swait.ge @!p0 [sflag:s1], $0x400  }
0x20: {  	s26 =	sshll.u32 s2, $0x8;
	[sflag:s1] =	ssyncset.done @!p0 $0x0  }
0x21: {  	s31 =	simm.s32 $0x80;
	s3 =	simm.s32 $0x7400;
	[sflag:s1] =	ssyncadd.s32 @!p0 $0xFFFFFC00  }
0x22: {  	s28 =	sand.u32 $0x3FFFFF00, s26;
	_ =	swait.ge @!p0 [sflag:s1], $0x400;
	[dreg:$0xd] =	wrdreg s2  }
0x23: {  	s4 =	simm.s32 $0x6480;
	[dreg:$0xf] =	wrdreg s28;
	[sflag:s1] =	ssyncset.done @!p0 $0x0  }
0x24: {  	s29 =	sor.u32 $0x80, s28;
	s30 =	rddreg [dreg:$0x5];
	[sflag:s1] =	ssyncadd.s32 @!p0 $0xFFFFFC00  }
0x25: {  	[tilespmem:s3], [sflag:$0x2] =	stream.indirect.gather [hbm4b:s30+s31], $0x20, s29, s31, $0xb8;
	[tilespmem:$0xC500] =	vst v63  }
0x26: {  	v8 =	vld [tilespmem:s4+$0x60]  }
0x27: {  	v9 =	vld [tilespmem:s4+$0xFFFFFFA0]  }
0x28: {  	v10 =	vld [tilespmem:s4+$0xFFFFFFC0]  }
0x29: {  	v11 =	vld [tilespmem:s4+$0xFFFFFFE0]  }
0x2a: {  	s3 =	simm.s32 $0x8484;
	v12 =	vld [tilespmem:s4+$0x0]  }
0x2b: {  	v13 =	vld [tilespmem:s4+$0x20];
	[tilespmem:s3+$0x63] =	vst v8  }
0x2c: {  	v14 =	vld [tilespmem:s4+$0xFFFFFF80];
	[tilespmem:s3+$0xFFFFFF9D] =	vst v9  }
0x2d: {  	[tilespmem:s3+$0xFFFFFFBE] =	vst v10;
	v9 =	vld [tilespmem:s4+$0x70]  }
0x2e: {  	v10 =	vld [tilespmem:s4+$0x40];
	[tilespmem:s3+$0xFFFFFFDF] =	vst v11  }
0x2f: {  	[tilespmem:s3+$0x0] =	vst v12;
	v15 =	vld [tilespmem:s4+$0xFFFFFFB0]  }
0x30: {  	[tilespmem:s3+$0x21] =	vst v13;
	v12 =	vld [tilespmem:s4+$0xFFFFFFD0]  }
0x31: {  	[tilespmem:s3+$0xFFFFFF7C] =	vst v14;
	v8 =	vld [tilespmem:s4+$0xFFFFFFF0]  }
0x32: {  	[tilespmem:s3+$0x73] =	vst v9;
	v9 =	vld [tilespmem:s4+$0x10]  }
0x33: {  	v11 =	vld [tilespmem:s4+$0x30];
	[tilespmem:s3+$0x42] =	vst v10  }
0x34: {  	s11 =	simm.s32 $0xA540;
	v10 =	vld [tilespmem:s4+$0xFFFFFF90];
	[tilespmem:s3+$0xFFFFFFAD] =	vst v15  }
0x35: {  	s2 =	simm.s32 $0x0;
	s1 =	simm.s32 $0x180;
	[tilespmem:s3+$0xFFFFFFCE] =	vst v12;
	v12 =	vld [tilespmem:s4+$0x50];
	s4 =	simm.s32 $0x6580  }
.LBB2_3:
0x36: {  	v13 =	vld [tilespmem:s4+$0x60];
	s2 =	sadd.s32 $0x8, s2;
	[tilespmem:s3+$0xFFFFFFEF] =	vst v8  }
0x37: {  	v8 =	vld [tilespmem:s4+$0xFFFFFFA0];
	p0 =	slt.u32 s2, $0x78;
	[tilespmem:s3+$0x10] =	vst v9  }
0x38: {  	v9 =	vld [tilespmem:s4+$0xFFFFFFC0];
	[tilespmem:s3+$0x31] =	vst v11  }
0x39: {  	v11 =	vld [tilespmem:s4+$0xFFFFFFE0];
	[tilespmem:s3+$0xFFFFFF8C] =	vst v10  }
0x3a: {  	v10 =	vld [tilespmem:s4+$0x0];
	[tilespmem:s3+$0x52] =	vst v12;
	s3 =	sadd.s32 $0x108, s3  }
0x3b: {  	v12 =	vld [tilespmem:s4+$0x20];
	[tilespmem:s3+$0x63] =	vst v13  }
0x3c: {  	[tilespmem:s3+$0xFFFFFF9D] =	vst v8;
	v13 =	vld [tilespmem:s4+$0x70]  }
0x3d: {  	[tilespmem:s3+$0xFFFFFFBE] =	vst v9;
	v14 =	vld [tilespmem:s4+$0x40]  }
0x3e: {  	v15 =	vld [tilespmem:s4+$0xFFFFFF80];
	[tilespmem:s3+$0xFFFFFFDF] =	vst v11  }
0x3f: {  	v16 =	vld [tilespmem:s4+$0xFFFFFFB0];
	[tilespmem:s3+$0x0] =	vst v10  }
0x40: {  	v17 =	vld [tilespmem:s4+$0xFFFFFFD0];
	[tilespmem:s3+$0x21] =	vst v12  }
.Ltmp0:
0x41: {  	s19 =	simm.s32 $0x0;
	v8 =	vld [tilespmem:s4+$0xFFFFFFF0];
	[tilespmem:s3+$0x73] =	vst v13;
	(pc) =	sbr.rel @p0 .LBB2_3-.Ltmp0, $4  }
0x42: {  	v9 =	vld [tilespmem:s4+$0x10];
	[tilespmem:s3+$0x42] =	vst v14  }
0x43: {  	[tilespmem:s3+$0xFFFFFF7C] =	vst v15;
	v11 =	vld [tilespmem:s4+$0x30]  }
0x44: {  	v10 =	vld [tilespmem:s4+$0xFFFFFF90];
	[tilespmem:s3+$0xFFFFFFAD] =	vst v16  }
0x45: {  	[tilespmem:s3+$0xFFFFFFCE] =	vst v17;
	v12 =	vld [tilespmem:s4+$0x50];
	s4 =	sadd.s32 $0x100, s4  }
0x46: {  	s8 =	simm.s32 $0x3  }
0x47: {  	[tilespmem:s3+$0xFFFFFFEF] =	vst v8;
	s2 =	simm.s32 $0x2;
	v8 =	vadd.s32 s8, v0  }
0x48: {  	[tilespmem:s3+$0x10] =	vst v9;
	v9 =	vadd.s32 s2, v0  }
0x49: {  	[tilespmem:s3+$0x31] =	vst v11  }
0x4a: {  	[tilespmem:s3+$0xFFFFFF8C] =	vst v10;
	v10 =	vadd.s32 s19, v0  }
0x4b: {  	[tilespmem:s3+$0x52] =	vst v12  }
0x4c: {  	v8 =	vld.idx.msk [tilespmem:v8+s13+$0x0], $0xffff  }
0x4d: {  	v9 =	vld.idx.msk [tilespmem:v9+s13+$0x0], $0xffff;
	_ =	sdelay $0x1  }
0x4e: {  	s5 =	simm.s32 $0x0;
	v11 =	vadd.s32 s8, v1;
	v10 =	vld.idx.msk [tilespmem:v10+s13+$0x0], $0xffff  }
0x4f: {  	s1 =	sand.u32 $0x380, s1;
	s3 =	sand.u32 $0xC00, s5;
	v12 =	vadd.s32 s2, v1  }
0x50: {  	s6 =	simm.s32 $0x100;
	s7 =	simm.s32 $0x1;
	s3 =	sadd.s32 $0xA500, s3;
	v8 =	vmul.f32 $1.000000000e+01, v8  }
0x51: {  	v13 =	vadd.s32 s7, v0;
	s24 =	sadd.s32 s1, s3;
	s1 =	sand.u32 $0x300, s6;
	v9 =	vmul.f32 $1.000000000e+01, v9  }
0x52: {  	s21 =	sadd.s32 s1, s3;
	[tilespmem:s24+$0x0] =	vst v8;
	v8 =	vadd.s32 s19, v1  }
0x53: {  	v10 =	vmul.f32 $1.000000000e+01, v10;
	[tilespmem:s21+$0x0] =	vst v9;
	v11 =	vld.idx.msk [tilespmem:v11+s13+$0x0], $0xffff  }
0x54: {  	s6 =	simm.s32 $0x6;
	v9 =	vld.idx.msk [tilespmem:v12+s13+$0x0], $0xffff  }
0x55: {  	[tilespmem:s11+$0xFFFFFFC0] =	vst v10;
	v10 =	vadd.s32 s6, v0  }
0x56: {  	v13 =	vld.idx.msk [tilespmem:v13+s13+$0x0], $0xffff;
	v12 =	vadd.s32 s8, v2  }
0x57: {  	s0 =	simm.s32 $0x7;
	v15 =	vadd.s32 s2, v2;
	v8 =	vld.idx.msk [tilespmem:v8+s13+$0x0], $0xffff  }
0x58: {  	v14 =	vadd.s32 s0, v0;
	v11 =	vmul.f32 $1.000000000e+01, v11  }
0x59: {  	v17 =	vadd.s32 s7, v1;
	v9 =	vmul.f32 $1.000000000e+01, v9  }
0x5a: {  	v16 =	vadd.s32 s19, v2;
	s28 =	simm.s32 $0x5;
	s9 =	simm.s32 $0x80;
	v10 =	vld.idx.msk [tilespmem:v10+s13+$0x0], $0xffff;
	[tilespmem:s24+$0x10] =	vst v11  }
0x5b: {  	s10 =	simm.s32 $0x4;
	s1 =	sand.u32 $0x280, s9;
	v13 =	vmul.f32 $1.000000000e+01, v13;
	[tilespmem:s21+$0x10] =	vst v9;
	v9 =	vadd.s32 s28, v0;
	v11 =	vld.idx.msk [tilespmem:v12+s13+$0x0], $0xffff  }
0x5c: {  	s14 =	sor.u32 s1, s3;
	v12 =	vadd.s32 s10, v0;
	v15 =	vld.idx.msk [tilespmem:v15+s13+$0x0], $0xffff;
	v8 =	vmul.f32 $1.000000000e+01, v8  }
0x5d: {  	s12 =	simm.s32 $0x200;
	v14 =	vld.idx.msk [tilespmem:v14+s13+$0x0], $0xffff;
	v18 =	vadd.s32 s6, v1;
	[tilespmem:s14+$0x0] =	vst v13  }
0x5e: {  	s15 =	simm.s32 $0x300;
	s1 =	sand.u32 $0xC00, s12;
	v17 =	vld.idx.msk [tilespmem:v17+s13+$0x0], $0xffff;
	[tilespmem:s11+$0xFFFFFFD0] =	vst v8;
	v8 =	vadd.s32 s8, v3  }
0x5f: {  	v19 =	vadd.s32 s2, v3;
	s3 =	sand.u32 $0x300, s15;
	s1 =	sadd.s32 $0xA500, s1;
	v10 =	vmul.f32 $1.000000000e+01, v10;
	v16 =	vld.idx.msk [tilespmem:v16+s13+$0x0], $0xffff  }
0x60: {  	s30 =	sadd.s32 s3, s1;
	v13 =	vadd.s32 s0, v1;
	v9 =	vld.idx.msk [tilespmem:v9+s13+$0x0], $0xffff;
	v11 =	vmul.f32 $1.000000000e+01, v11  }
0x61: {  	s4 =	simm.s32 $0x380;
	v12 =	vld.idx.msk [tilespmem:v12+s13+$0x0], $0xffff;
	v15 =	vmul.f32 $1.000000000e+01, v15;
	[tilespmem:s30+$0x0] =	vst v10  }
0x62: {  	s16 =	sand.u32 $0x380, s4;
	s12 =	simm.s32 $0x8;
	v18 =	vld.idx.msk [tilespmem:v18+s13+$0x0], $0xffff;
	[tilespmem:s24+$0x20] =	vst v11;
	v11 =	vmul.f32 $1.000000000e+01, v14;
	v14 =	vadd.s32 s19, v3  }
0x63: {  	v22 =	vadd.s32 s12, v0;
	s29 =	sadd.s32 s16, s1;
	v17 =	vmul.f32 $1.000000000e+01, v17;
	[tilespmem:s21+$0x20] =	vst v15;
	v8 =	vld.idx.msk [tilespmem:v8+s13+$0x0], $0xffff  }
0x64: {  	s17 =	simm.s32 $0x280;
	v10 =	vadd.s32 s10, v1;
	v19 =	vld.idx.msk [tilespmem:v19+s13+$0x0], $0xffff;
	v16 =	vmul.f32 $1.000000000e+01, v16;
	[tilespmem:s29+$0x0] =	vst v11  }
0x65: {  	s3 =	sand.u32 $0x280, s17;
	[tilespmem:s14+$0x10] =	vst v17;
	v11 =	vadd.s32 s7, v2;
	v9 =	vmul.f32 $1.000000000e+01, v9;
	v13 =	vld.idx.msk [tilespmem:v13+s13+$0x0], $0xffff  }
0x66: {  	s17 =	sor.u32 s3, s1;
	v15 =	vadd.s32 s28, v1;
	v12 =	vmul.f32 $1.000000000e+01, v12;
	[tilespmem:s11+$0xFFFFFFE0] =	vst v16  }
0x67: {  	s15 =	simm.s32 $0xA740;
	v16 =	vadd.s32 s6, v2;
	[tilespmem:s17+$0x0] =	vst v9;
	v9 =	vmul.f32 $1.000000000e+01, v18;
	v14 =	vld.idx.msk [tilespmem:v14+s13+$0x0], $0xffff  }
0x68: {  	v22 =	vld.idx.msk [tilespmem:v22+s13+$0x0], $0xffff;
	[tilespmem:s15+$0xFFFFFFC0] =	vst v12;
	v12 =	vadd.s32 s0, v2;
	v8 =	vmul.f32 $1.000000000e+01, v8  }
0x69: {  	v17 =	vadd.s32 s2, v4;
	v10 =	vld.idx.msk [tilespmem:v10+s13+$0x0], $0xffff;
	[tilespmem:s30+$0x10] =	vst v9;
	v9 =	vmul.f32 $1.000000000e+01, v19  }
0x6a: {  	s20 =	simm.s32 $0xA;
	v11 =	vld.idx.msk [tilespmem:v11+s13+$0x0], $0xffff;
	[tilespmem:s24+$0x30] =	vst v8;
	v8 =	vmul.f32 $1.000000000e+01, v13;
	v13 =	vadd.s32 s19, v4  }
0x6b: {  	v15 =	vld.idx.msk [tilespmem:v15+s13+$0x0], $0xffff;
	[tilespmem:s21+$0x30] =	vst v9;
	v9 =	vadd.s32 s20, v0  }
0x6c: {  	v18 =	vadd.s32 s10, v2;
	v16 =	vld.idx.msk [tilespmem:v16+s13+$0x0], $0xffff;
	[tilespmem:s29+$0x10] =	vst v8;
	v8 =	vmul.f32 $1.000000000e+01, v14  }
0x6d: {  	s18 =	simm.s32 $0x9;
	v14 =	vadd.s32 s7, v3;
	v12 =	vld.idx.msk [tilespmem:v12+s13+$0x0], $0xffff  }
0x6e: {  	v19 =	vadd.s32 s18, v0;
	v10 =	vmul.f32 $1.000000000e+01, v10;
	[tilespmem:s11+$0xFFFFFFF0] =	vst v8;
	v8 =	vld.idx.msk [tilespmem:v17+s13+$0x0], $0xffff  }
0x6f: {  	s23 =	simm.s32 $0xB;
	v20 =	vadd.s32 s8, v4;
	v11 =	vmul.f32 $1.000000000e+01, v11;
	v13 =	vld.idx.msk [tilespmem:v13+s13+$0x0], $0xffff  }
0x70: {  	v17 =	vadd.s32 s23, v0;
	[tilespmem:s15+$0xFFFFFFD0] =	vst v10;
	v9 =	vld.idx.msk [tilespmem:v9+s13+$0x0], $0xffff  }
0x71: {  	v15 =	vmul.f32 $1.000000000e+01, v15;
	v10 =	vld.idx.msk [tilespmem:v18+s13+$0x0], $0xffff;
	v18 =	vadd.s32 s0, v3;
	[tilespmem:s14+$0x20] =	vst v11  }
0x72: {  	v16 =	vmul.f32 $1.000000000e+01, v16;
	v11 =	vld.idx.msk [tilespmem:v14+s13+$0x0], $0xffff;
	v14 =	vadd.s32 s6, v3  }
0x73: {  	v21 =	vadd.s32 s19, v5;
	v19 =	vld.idx.msk [tilespmem:v19+s13+$0x0], $0xffff;
	[tilespmem:s17+$0x10] =	vst v15;
	v12 =	vmul.f32 $1.000000000e+01, v12  }
0x74: {  	s22 =	simm.s32 $0x400;
	v20 =	vld.idx.msk [tilespmem:v20+s13+$0x0], $0xffff;
	v15 =	vadd.s32 s2, v5;
	[tilespmem:s30+$0x20] =	vst v16;
	v8 =	vmul.f32 $1.000000000e+01, v8  }
0x75: {  	s25 =	simm.s32 $0x500;
	s1 =	sand.u32 $0xC00, s22;
	v13 =	vmul.f32 $1.000000000e+01, v13;
	[tilespmem:s29+$0x20] =	vst v12;
	v12 =	vld.idx.msk [tilespmem:v17+s13+$0x0], $0xffff;
	v17 =	vadd.s32 s7, v4  }
0x76: {  	s3 =	sand.u32 $0x300, s25;
	s1 =	sadd.s32 $0xA500, s1;
	v16 =	vadd.s32 s20, v1;
	v9 =	vmul.f32 $1.000000000e+01, v9;
	v18 =	vld.idx.msk [tilespmem:v18+s13+$0x0], $0xffff;
	[tilespmem:s21+$0x40] =	vst v8  }
0x77: {  	s26 =	simm.s32 $0x480;
	s25 =	sadd.s32 s3, s1;
	[tilespmem:s11+$0x0] =	vst v13;
	v13 =	vadd.s32 s18, v1;
	v23 =	vld.idx.msk [tilespmem:v14+s13+$0x0], $0xffff;
	v11 =	vmul.f32 $1.000000000e+01, v11  }
0x78: {  	s5 =	sand.u32 $0x280, s26;
	v19 =	vmul.f32 $1.000000000e+01, v19;
	[tilespmem:s25+$0x0] =	vst v9;
	v9 =	vadd.s32 s10, v3;
	v14 =	vld.idx.msk [tilespmem:v21+s13+$0x0], $0xffff  }
0x79: {  	s4 =	simm.s32 $0x580;
	s26 =	sor.u32 s5, s1;
	v8 =	vmul.f32 $1.000000000e+01, v10;
	v15 =	vld.idx.msk [tilespmem:v15+s13+$0x0], $0xffff;
	v21 =	vadd.s32 s23, v1;
	[tilespmem:s14+$0x30] =	vst v11  }
0x7a: {  	s31 =	sand.u32 $0x380, s4;
	[tilespmem:s26+$0x0] =	vst v19;
	v11 =	vld.idx.msk [tilespmem:v17+s13+$0x0], $0xffff;
	v12 =	vmul.f32 $1.000000000e+01, v12;
	v17 =	vadd.s32 s0, v4  }
0x7b: {  	s5 =	sadd.s32 s31, s1;
	v10 =	vadd.s32 s19, v6;
	v16 =	vld.idx.msk [tilespmem:v16+s13+$0x0], $0xffff;
	[tilespmem:s15+$0xFFFFFFE0] =	vst v8  }
0x7c: {  	v13 =	vld.idx.msk [tilespmem:v13+s13+$0x0], $0xffff;
	[tilespmem:s5+$0x0] =	vst v12;
	v12 =	vmul.f32 $1.000000000e+01, v18;
	v18 =	vadd.s32 s8, v5  }
0x7d: {  	v19 =	vadd.s32 s7, v5;
	v24 =	vld.idx.msk [tilespmem:v9+s13+$0x0], $0xffff;
	v14 =	vmul.f32 $1.000000000e+01, v14  }
0x7e: {  	v20 =	vmul.f32 $1.000000000e+01, v20;
	v8 =	vld.idx.msk [tilespmem:v21+s13+$0x0], $0xffff;
	v21 =	vadd.s32 s12, v1;
	[tilespmem:s29+$0x30] =	vst v12  }
0x7f: {  	v12 =	vadd.s32 s20, v2;
	v9 =	vld.idx.msk [tilespmem:v17+s13+$0x0], $0xffff;
	[tilespmem:s11+$0x10] =	vst v14;
	v11 =	vmul.f32 $1.000000000e+01, v11  }
0x80: {  	[tilespmem:s24+$0x40] =	vst v20;
	v14 =	vmul.f32 $1.000000000e+01, v22;
	v22 =	vadd.s32 s2, v6;
	v10 =	vld.idx.msk [tilespmem:v10+s13+$0x0], $0xffff  }
0x81: {  	v25 =	vadd.s32 s23, v2;
	s9 =	simm.s32 $0xA940;
	v16 =	vmul.f32 $1.000000000e+01, v16;
	[tilespmem:s14+$0x40] =	vst v11;
	v20 =	vld.idx.msk [tilespmem:v18+s13+$0x0], $0xffff  }
0x82: {  	[tilespmem:s9+$0xFFFFFFC0] =	vst v14;
	v11 =	vmul.f32 $1.000000000e+01, v15;
	v18 =	vld.idx.msk [tilespmem:v19+s13+$0x0], $0xffff  }
0x83: {  	[tilespmem:s25+$0x10] =	vst v16;
	v16 =	vmul.f32 $1.000000000e+01, v23;
	v17 =	vld.idx.msk [tilespmem:v21+s13+$0x0], $0xffff;
	v15 =	vmul.f32 $1.000000000e+01, v8  }
0x84: {  	v23 =	vadd.s32 s8, v6;
	v13 =	vmul.f32 $1.000000000e+01, v13;
	v19 =	vadd.s32 s28, v2;
	v14 =	vld.idx.msk [tilespmem:v12+s13+$0x0], $0xffff;
	[tilespmem:s21+$0x50] =	vst v11  }
0x85: {  	v8 =	vadd.s32 s12, v2;
	v12 =	vadd.s32 s6, v4;
	[tilespmem:s5+$0x10] =	vst v15;
	v21 =	vld.idx.msk [tilespmem:v22+s13+$0x0], $0xffff  }
0x86: {  	s16 =	simm.s32 $0x7;
	s22 =	simm.s32 $0x9;
	s1 =	simm.s32 $0xC;
	v11 =	vadd.s32 s10, v4;
	[tilespmem:s26+$0x10] =	vst v13;
	v15 =	vmul.f32 $1.000000000e+01, v24;
	v22 =	vadd.s32 s7, v6;
	v13 =	vld.idx.msk [tilespmem:v25+s13+$0x0], $0xffff  }
.LBB2_5:
0x87: {  	_ = 	snop  }
0x88: {  	[tilespmem:s15+$0xFFFFFFF0] =	vst v15;
	v15 =	vmul.f32 $1.000000000e+01, v18  }
0x89: {  	v19 =	vld.idx.msk [tilespmem:v19+s13+$0x0], $0xffff;
	s18 =	simm.s32 $0x8400;
	[tilespmem:s30+$0x30] =	vst v16;
	v16 =	vmul.f32 $1.000000000e+01, v20  }
0x8a: {  	s31 =	sadd.s32 $0x2, s1;
	v18 =	vadd.s32 s2, v7;
	v12 =	vld.idx.msk [tilespmem:v12+s18+$0x0], $0xffff;
	v14 =	vmul.f32 $1.000000000e+01, v14;
	[tilespmem:s14+$0x50] =	vst v15  }
0x8b: {  	s0 =	sadd.s32 $0x1, s1;
	v25 =	vadd.s32 s31, v0;
	v11 =	vld.idx.msk [tilespmem:v11+s18+$0x0], $0xffff;
	v17 =	vmul.f32 $1.000000000e+01, v17;
	[tilespmem:s24+$0x50] =	vst v16  }
0x8c: {  	s13 =	smov.u32 s1;
	v20 =	vadd.s32 s0, v0;
	v22 =	vld.idx.msk [tilespmem:v22+s18+$0x0], $0xffff;
	v21 =	vmul.f32 $1.000000000e+01, v21;
	[tilespmem:s25+$0x20] =	vst v14  }
0x8d: {  	v24 =	vadd.s32 s1, v2;
	s3 =	sadd.s32 $0x4, s1;
	p0 =	slt.u32 s1, $0x1C;
	v26 =	vadd.s32 s19, v7;
	s1 =	sadd.s32 $0x3, s13;
	v13 =	vmul.f32 $1.000000000e+01, v13;
	v15 =	vld.idx.msk [tilespmem:v23+s18+$0x0], $0xffff;
	[tilespmem:s9+$0xFFFFFFD0] =	vst v17  }
0x8e: {  	v10 =	vmul.f32 $1.000000000e+01, v10;
	v16 =	vadd.s32 s1, v0;
	[tilespmem:s21+$0x60] =	vst v21;
	v23 =	vld.idx.msk [tilespmem:v8+s18+$0x0], $0xffff  }
0x8f: {  	s2 =	smov.u32 s6;
	s6 =	smov.u32 s20;
	v19 =	vmul.f32 $1.000000000e+01, v19;
	v17 =	vadd.s32 s28, v3;
	[tilespmem:s5+$0x20] =	vst v13;
	v18 =	vld.idx.msk [tilespmem:v18+s18+$0x0], $0xffff  }
0x90: {  	s19 =	smov.u32 s10;
	v58 =	vadd.s32 s6, v3;
	[tilespmem:s11+$0x20] =	vst v10;
	v11 =	vmul.f32 $1.000000000e+01, v11;
	v25 =	vld.idx.msk [tilespmem:v25+s18+$0x0], $0xffff  }
0x91: {  	s10 =	smov.u32 s12;
	v13 =	vadd.s32 s19, v5;
	v12 =	vmul.f32 $1.000000000e+01, v12;
	v14 =	vld.idx.msk [tilespmem:v20+s18+$0x0], $0xffff;
	[tilespmem:s17+$0x20] =	vst v19  }
0x92: {  	s4 =	sadd.s32 $0x200, s4;
	[dreg:$0x4] =	wrdreg s3;
	s20 =	smov.u32 s31;
	v20 =	vadd.s32 s8, v7;
	v19 =	vld.idx.msk [tilespmem:v26+s18+$0x0], $0xffff;
	[tilespmem:s15+$0x0] =	vst v11;
	v11 =	vmul.f32 $1.000000000e+01, v22  }
0x93: {  	v57 =	vadd.s32 s23, v3;
	s3 =	smov.u32 s23;
	s23 =	smov.u32 s1;
	s1 =	sadd.s32 $0xFFFFFE80, s4;
	v10 =	vadd.s32 s7, v7;
	[tilespmem:s30+$0x40] =	vst v12;
	v16 =	vld.idx.msk [tilespmem:v16+s18+$0x0], $0xffff;
	v15 =	vmul.f32 $1.000000000e+01, v15  }
0x94: {  	v9 =	vmul.f32 $1.000000000e+01, v9;
	s12 =	smov.u32 s13;
	s31 =	smov.u32 s0;
	s0 =	sand.u32 $0xC00, s1;
	v17 =	vld.idx.msk [tilespmem:v17+s18+$0x0], $0xffff;
	[tilespmem:s14+$0x60] =	vst v11  }
0x95: {  	v21 =	vadd.s32 s12, v0;
	s7 =	smov.u32 s28;
	s28 =	smov.u32 s22;
	s22 =	smov.u32 s31;
	v26 =	vld.idx.msk [tilespmem:v58+s18+$0x0], $0xffff;
	[tilespmem:s24+$0x60] =	vst v15  }
0x96: {  	v27 =	vadd.s32 s20, v1;
	s8 =	smov.u32 s16;
	s16 =	sadd.s32 $0xFFFFFF00, s4;
	v22 =	vadd.s32 s31, v1;
	s31 =	sadd.s32 $0xFFFFFF80, s4;
	v13 =	vld.idx.msk [tilespmem:v13+s18+$0x0], $0xffff;
	v11 =	vmul.f32 $1.000000000e+01, v18;
	[tilespmem:s29+$0x40] =	vst v9  }
0x97: {  	s0 =	sadd.s32 $0xA500, s0;
	v59 =	vadd.s32 s7, v4;
	s1 =	sand.u32 $0x280, s16;
	s13 =	sand.u32 $0x300, s31;
	v14 =	vmul.f32 $1.000000000e+01, v14;
	v9 =	vld.idx.msk [tilespmem:v20+s18+$0x0], $0xffff  }
0x98: {  	s1 =	sor.u32 s1, s0;
	s13 =	sadd.s32 s13, s0;
	v10 =	vld.idx.msk [tilespmem:v10+s18+$0x0], $0xffff;
	[tilespmem:s21+$0x70] =	vst v11;
	s21 =	smov.u32 s30;
	v11 =	vmul.f32 $1.000000000e+01, v25  }
0x99: {  	s30 =	smov.u32 s25;
	s25 =	smov.u32 s13;
	s13 =	simm.s32 $0x8400;
	v20 =	vld.idx.msk [tilespmem:v57+s18+$0x0], $0xffff;
	[tilespmem:s1+$0x0] =	vst v14;
	v14 =	vadd.s32 s2, v5;
	v12 =	vmul.f32 $1.000000000e+01, v17  }
0x9a: {  	s16 =	sand.u32 $0x380, s4;
	v15 =	vadd.s32 s23, v1;
	v16 =	vmul.f32 $1.000000000e+01, v16;
	v17 =	vld.idx.msk [tilespmem:v21+s13+$0x0], $0xffff;
	[tilespmem:s25+$0x0] =	vst v11  }
0x9b: {  	s0 =	sadd.s32 s16, s0;
	v11 =	vmul.f32 $1.000000000e+01, v23;
	v21 =	vld.idx.msk [tilespmem:v27+s13+$0x0], $0xffff;
	[tilespmem:s17+$0x30] =	vst v12;
	v12 =	vadd.s32 s10, v3  }
0x9c: {  	[tilespmem:s0+$0x0] =	vst v16;
	v16 =	vadd.s32 s3, v4;
	v18 =	vld.idx.msk [tilespmem:v59+s13+$0x0], $0xffff;
	v9 =	vmul.f32 $1.000000000e+01, v9  }
0x9d: {  	v19 =	vmul.f32 $1.000000000e+01, v19;
	v23 =	vadd.s32 s19, v6;
	[tilespmem:s9+$0xFFFFFFE0] =	vst v11;
	v22 =	vld.idx.msk [tilespmem:v22+s13+$0x0], $0xffff  }
0x9e: {  	v20 =	vmul.f32 $1.000000000e+01, v20;
	v11 =	vld.idx.msk [tilespmem:v14+s13+$0x0], $0xffff;
	v14 =	vadd.s32 s8, v5;
	[tilespmem:s24+$0x70] =	vst v9  }
0x9f: {  	[tilespmem:s11+$0x30] =	vst v19;
	v60 =	vmul.f32 $1.000000000e+01, v10;
	v10 =	vmul.f32 $1.000000000e+01, v13;
	v13 =	vadd.s32 s7, v5;
	s24 =	smov.u32 s29;
	s29 =	smov.u32 s5;
	v15 =	vld.idx.msk [tilespmem:v15+s13+$0x0], $0xffff  }
0xa0: {  	v28 =	vadd.s32 s20, v2;
	s11 =	smov.u32 s15;
	v62 =	vld.idx.msk [tilespmem:v12+s13+$0x0], $0xffff;
	[tilespmem:s29+$0x30] =	vst v20  }
0xa1: {  	v61 =	vadd.s32 s12, v1;
	[tilespmem:s11+$0x10] =	vst v10;
	v9 =	vld.idx.msk [tilespmem:v16+s13+$0x0], $0xffff;
	v16 =	vmul.f32 $1.000000000e+01, v18  }
0xa2: {  	[tilespmem:s14+$0x70] =	vst v60;
	s14 =	smov.u32 s17;
	v21 =	vmul.f32 $1.000000000e+01, v21;
	v10 =	vld.idx.msk [tilespmem:v23+s13+$0x0], $0xffff;
	v23 =	vadd.s32 s2, v6  }
0xa3: {  	v63 =	vadd.s32 s23, v2;
	v12 =	vmul.f32 $1.000000000e+01, v17;
	v20 =	vld.idx.msk [tilespmem:v14+s13+$0x0], $0xffff;
	[tilespmem:s14+$0x40] =	vst v16  }
.Ltmp1:
0xa4: {  	s15 =	smov.u32 s9;
	s9 =	sadd.s32 $0x200, s9;
	[tilespmem:s25+$0x10] =	vst v21;
	v18 =	vld.idx.msk [tilespmem:v13+s13+$0x0], $0xffff;
	v13 =	vmul.f32 $1.000000000e+01, v11;
	(pc) =	sbr.rel @p0 .LBB2_5-.Ltmp1, $4  }
0xa5: {  	[tilespmem:s9+$0xFFFFFFC0] =	vst v12;
	v14 =	vld.idx.msk [tilespmem:v28+s13+$0x0], $0xffff;
	v15 =	vmul.f32 $1.000000000e+01, v15  }
0xa6: {  	v19 =	vadd.s32 s28, v2;
	s5 =	smov.u32 s0;
	v22 =	vmul.f32 $1.000000000e+01, v22;
	v17 =	vld.idx.msk [tilespmem:v61+s13+$0x0], $0xffff;
	[tilespmem:s21+$0x50] =	vst v13  }
0xa7: {  	s17 =	smov.u32 s26;
	s26 =	smov.u32 s1;
	v12 =	vadd.s32 s6, v4;
	v16 =	vmul.f32 $1.000000000e+01, v26;
	v11 =	vadd.s32 s10, v4;
	[tilespmem:s5+$0x10] =	vst v15;
	v21 =	vld.idx.msk [tilespmem:v23+s13+$0x0], $0xffff  }
0xa8: {  	v8 =	vmovc v24;
	s16 =	smov.u32 s3;
	s1 =	rddreg [dreg:$0x4];
	[tilespmem:s26+$0x10] =	vst v22;
	v22 =	vadd.s32 s7, v6;
	v23 =	vadd.s32 s8, v6;
	v15 =	vmul.f32 $1.000000000e+01, v62;
	v13 =	vld.idx.msk [tilespmem:v63+s13+$0x0], $0xffff  }
0xa9: {  	_ = 	snop  }
0xaa: {  	v25 =	vadd.s32 s19, v7  }
0xab: {  	v18 =	vmul.f32 $1.000000000e+01, v18  }
0xac: {  	v10 =	vmul.f32 $1.000000000e+01, v10;
	[tilespmem:s30+$0x30] =	vst v16  }
0xad: {  	v20 =	vmul.f32 $1.000000000e+01, v20;
	v19 =	vld.idx.msk [tilespmem:v19+s13+$0x0], $0xffff;
	[tilespmem:s14+$0x50] =	vst v18  }
0xae: {  	v35 =	vadd.s32 s22, v2;
	[tilespmem:s11+$0x20] =	vst v10;
	v34 =	vld.idx.msk [tilespmem:v22+s13+$0x0], $0xffff  }
0xaf: {  	v31 =	vadd.s32 s2, v7;
	[tilespmem:s24+$0x50] =	vst v20;
	v17 =	vmul.f32 $1.000000000e+01, v17;
	v10 =	vld.idx.msk [tilespmem:v25+s13+$0x0], $0xffff  }
0xb0: {  	[tilespmem:s15+$0xFFFFFFF0] =	vst v15;
	v20 =	vld.idx.msk [tilespmem:v23+s13+$0x0], $0xffff;
	v21 =	vmul.f32 $1.000000000e+01, v21  }
0xb1: {  	v36 =	vadd.s32 s7, v7;
	[tilespmem:s9+$0xFFFFFFD0] =	vst v17;
	v13 =	vmul.f32 $1.000000000e+01, v13  }
0xb2: {  	[tilespmem:s21+$0x60] =	vst v21;
	v8 =	vld.idx.msk [tilespmem:v8+s13+$0x0], $0xffff;
	v19 =	vmul.f32 $1.000000000e+01, v19  }
0xb3: {  	v38 =	vadd.s32 s28, v3;
	v41 =	vld.idx.msk [tilespmem:v35+s13+$0x0], $0xffff;
	[tilespmem:s5+$0x20] =	vst v13;
	v39 =	vmul.f32 $1.000000000e+01, v34  }
0xb4: {  	v40 =	vadd.s32 s20, v3;
	v32 =	vld.idx.msk [tilespmem:v31+s13+$0x0], $0xffff;
	[tilespmem:s17+$0x20] =	vst v19;
	v10 =	vmul.f32 $1.000000000e+01, v10  }
0xb5: {  	v42 =	vadd.s32 s23, v3;
	v20 =	vmul.f32 $1.000000000e+01, v20;
	[tilespmem:s14+$0x60] =	vst v39  }
0xb6: {  	v43 =	vadd.s32 s12, v3;
	[tilespmem:s11+$0x30] =	vst v10;
	v10 =	vmul.f32 $1.000000000e+01, v14;
	v14 =	vld.idx.msk [tilespmem:v36+s13+$0x0], $0xffff  }
0xb7: {  	v44 =	vadd.s32 s22, v3;
	v12 =	vld.idx.msk [tilespmem:v12+s13+$0x0], $0xffff;
	[tilespmem:s24+$0x60] =	vst v20;
	v8 =	vmul.f32 $1.000000000e+01, v8  }
0xb8: {  	v45 =	vmul.f32 $1.000000000e+01, v41;
	[tilespmem:s25+$0x20] =	vst v10;
	v10 =	vld.idx.msk [tilespmem:v38+s13+$0x0], $0xffff  }
0xb9: {  	v20 =	vmul.f32 $1.000000000e+01, v32;
	[tilespmem:s9+$0xFFFFFFE0] =	vst v8;
	v13 =	vld.idx.msk [tilespmem:v40+s13+$0x0], $0xffff  }
0xba: {  	v49 =	vadd.s32 s6, v5;
	v9 =	vmul.f32 $1.000000000e+01, v9;
	v46 =	vld.idx.msk [tilespmem:v42+s13+$0x0], $0xffff;
	[tilespmem:s26+$0x20] =	vst v45  }
0xbb: {  	v8 =	vadd.s32 s28, v4;
	[tilespmem:s21+$0x70] =	vst v20;
	v20 =	vld.idx.msk [tilespmem:v43+s13+$0x0], $0xffff;
	v14 =	vmul.f32 $1.000000000e+01, v14  }
0xbc: {  	v47 =	vadd.s32 s20, v4;
	[tilespmem:s29+$0x40] =	vst v9;
	v12 =	vmul.f32 $1.000000000e+01, v12;
	v17 =	vld.idx.msk [tilespmem:v44+s13+$0x0], $0xffff  }
0xbd: {  	[tilespmem:s14+$0x70] =	vst v14;
	v10 =	vmul.f32 $1.000000000e+01, v10;
	v14 =	vadd.s32 s23, v4  }
0xbe: {  	v15 =	vadd.s32 s12, v4;
	v11 =	vld.idx.msk [tilespmem:v11+s13+$0x0], $0xffff;
	[tilespmem:s30+$0x40] =	vst v12;
	v13 =	vmul.f32 $1.000000000e+01, v13  }
0xbf: {  	v48 =	vadd.s32 s22, v4;
	v9 =	vld.idx.msk [tilespmem:v49+s13+$0x0], $0xffff;
	[tilespmem:s17+$0x30] =	vst v10;
	v10 =	vmul.f32 $1.000000000e+01, v46  }
0xc0: {  	v24 =	vadd.s32 s8, v7;
	v20 =	vmul.f32 $1.000000000e+01, v20;
	v8 =	vld.idx.msk [tilespmem:v8+s13+$0x0], $0xffff;
	[tilespmem:s25+$0x30] =	vst v13  }
0xc1: {  	v50 =	vmul.f32 $1.000000000e+01, v17;
	v13 =	vadd.s32 s16, v5;
	[tilespmem:s5+$0x30] =	vst v10;
	v10 =	vld.idx.msk [tilespmem:v47+s13+$0x0], $0xffff  }
0xc2: {  	v51 =	vadd.s32 s10, v5;
	[tilespmem:s9+$0xFFFFFFF0] =	vst v20;
	v14 =	vld.idx.msk [tilespmem:v14+s13+$0x0], $0xffff  }
0xc3: {  	v52 =	vadd.s32 s28, v5;
	v11 =	vmul.f32 $1.000000000e+01, v11;
	[tilespmem:s26+$0x30] =	vst v50;
	v15 =	vld.idx.msk [tilespmem:v15+s13+$0x0], $0xffff  }
0xc4: {  	v12 =	vadd.s32 s20, v5;
	v9 =	vmul.f32 $1.000000000e+01, v9;
	v16 =	vld.idx.msk [tilespmem:v48+s13+$0x0], $0xffff  }
0xc5: {  	v53 =	vadd.s32 s23, v5;
	[tilespmem:s15+$0x0] =	vst v11;
	v33 =	vld.idx.msk [tilespmem:v24+s13+$0x0], $0xffff;
	v8 =	vmul.f32 $1.000000000e+01, v8  }
0xc6: {  	[tilespmem:s30+$0x50] =	vst v9;
	v11 =	vld.idx.msk [tilespmem:v13+s13+$0x0], $0xffff;
	v13 =	vadd.s32 s12, v5;
	v10 =	vmul.f32 $1.000000000e+01, v10  }
0xc7: {  	v17 =	vld.idx.msk [tilespmem:v51+s13+$0x0], $0xffff;
	[tilespmem:s17+$0x40] =	vst v8;
	v8 =	vmul.f32 $1.000000000e+01, v14;
	v14 =	vadd.s32 s22, v5  }
0xc8: {  	v54 =	vadd.s32 s6, v6;
	v15 =	vmul.f32 $1.000000000e+01, v15;
	v20 =	vld.idx.msk [tilespmem:v52+s13+$0x0], $0xffff;
	[tilespmem:s25+$0x40] =	vst v10  }
0xc9: {  	v10 =	vadd.s32 s16, v6;
	[tilespmem:s5+$0x40] =	vst v8;
	v8 =	vld.idx.msk [tilespmem:v12+s13+$0x0], $0xffff;
	v12 =	vmul.f32 $1.000000000e+01, v16  }
0xca: {  	v55 =	vadd.s32 s10, v6;
	v37 =	vmul.f32 $1.000000000e+01, v33;
	[tilespmem:s9+$0x0] =	vst v15;
	v15 =	vld.idx.msk [tilespmem:v53+s13+$0x0], $0xffff  }
0xcb: {  	v56 =	vadd.s32 s28, v6;
	v11 =	vmul.f32 $1.000000000e+01, v11;
	v13 =	vld.idx.msk [tilespmem:v13+s13+$0x0], $0xffff;
	[tilespmem:s26+$0x40] =	vst v12  }
0xcc: {  	v9 =	vadd.s32 s20, v6;
	[tilespmem:s24+$0x70] =	vst v37;
	v12 =	vmul.f32 $1.000000000e+01, v17;
	v14 =	vld.idx.msk [tilespmem:v14+s13+$0x0], $0xffff  }
0xcd: {  	v57 =	vld.idx.msk [tilespmem:v54+s13+$0x0], $0xffff;
	[tilespmem:s29+$0x50] =	vst v11;
	v11 =	vadd.s32 s23, v6;
	v58 =	vmul.f32 $1.000000000e+01, v20  }
0xce: {  	[tilespmem:s15+$0x10] =	vst v12;
	v10 =	vld.idx.msk [tilespmem:v10+s13+$0x0], $0xffff;
	v12 =	vadd.s32 s12, v6;
	v8 =	vmul.f32 $1.000000000e+01, v8  }
0xcf: {  	v59 =	vadd.s32 s22, v6;
	v16 =	vld.idx.msk [tilespmem:v55+s13+$0x0], $0xffff;
	[tilespmem:s17+$0x50] =	vst v58;
	v15 =	vmul.f32 $1.000000000e+01, v15  }
0xd0: {  	v60 =	vadd.s32 s6, v7;
	v13 =	vmul.f32 $1.000000000e+01, v13;
	v18 =	vld.idx.msk [tilespmem:v56+s13+$0x0], $0xffff;
	[tilespmem:s25+$0x50] =	vst v8  }
0xd1: {  	v8 =	vadd.s32 s16, v7;
	v9 =	vld.idx.msk [tilespmem:v9+s13+$0x0], $0xffff;
	v14 =	vmul.f32 $1.000000000e+01, v14;
	[tilespmem:s5+$0x50] =	vst v15  }
0xd2: {  	v17 =	vmul.f32 $1.000000000e+01, v57;
	v15 =	vadd.s32 s10, v7;
	[tilespmem:s9+$0x10] =	vst v13;
	v11 =	vld.idx.msk [tilespmem:v11+s13+$0x0], $0xffff  }
0xd3: {  	v13 =	vadd.s32 s28, v7;
	v10 =	vmul.f32 $1.000000000e+01, v10;
	v12 =	vld.idx.msk [tilespmem:v12+s13+$0x0], $0xffff;
	[tilespmem:s26+$0x50] =	vst v14  }
0xd4: {  	[tilespmem:s30+$0x60] =	vst v17;
	v14 =	vadd.s32 s20, v7;
	v16 =	vmul.f32 $1.000000000e+01, v16;
	v61 =	vld.idx.msk [tilespmem:v59+s13+$0x0], $0xffff  }
0xd5: {  	v20 =	vld.idx.msk [tilespmem:v60+s13+$0x0], $0xffff;
	[tilespmem:s29+$0x60] =	vst v10;
	v18 =	vmul.f32 $1.000000000e+01, v18  }
0xd6: {  	[tilespmem:s15+$0x20] =	vst v16;
	v8 =	vld.idx.msk [tilespmem:v8+s13+$0x0], $0xffff;
	v9 =	vmul.f32 $1.000000000e+01, v9  }
0xd7: {  	v62 =	vadd.s32 s23, v7;
	v15 =	vld.idx.msk [tilespmem:v15+s13+$0x0], $0xffff;
	[tilespmem:s17+$0x60] =	vst v18;
	v11 =	vmul.f32 $1.000000000e+01, v11  }
0xd8: {  	v10 =	vadd.s32 s12, v7;
	v12 =	vmul.f32 $1.000000000e+01, v12;
	v13 =	vld.idx.msk [tilespmem:v13+s13+$0x0], $0xffff;
	[tilespmem:s25+$0x60] =	vst v9  }
0xd9: {  	v63 =	vadd.s32 s22, v7;
	v9 =	vld.idx.msk [tilespmem:v14+s13+$0x0], $0xffff;
	v14 =	vmul.f32 $1.000000000e+01, v61;
	[tilespmem:s5+$0x60] =	vst v11  }
0xda: {  	v11 =	vmul.f32 $1.000000000e+01, v20;
	[tilespmem:s9+$0x20] =	vst v12  }
0xdb: {  	v8 =	vmul.f32 $1.000000000e+01, v8;
	[tilespmem:s26+$0x60] =	vst v14  }
0xdc: {  	v12 =	vld.idx.msk [tilespmem:v62+s13+$0x0], $0xffff;
	[tilespmem:s30+$0x70] =	vst v11;
	v11 =	vmul.f32 $1.000000000e+01, v15  }
0xdd: {  	v10 =	vld.idx.msk [tilespmem:v10+s13+$0x0], $0xffff;
	[tilespmem:s29+$0x70] =	vst v8;
	v8 =	vmul.f32 $1.000000000e+01, v13  }
0xde: {  	v14 =	vld.idx.msk [tilespmem:v63+s13+$0x0], $0xffff;
	[tilespmem:s15+$0x30] =	vst v11  }
0xdf: {  	[tilespmem:s17+$0x70] =	vst v8  }
0xe0: {  	v9 =	vmul.f32 $1.000000000e+01, v9;
	s0 =	rddreg [dreg:$0x6]  }
0xe1: {  	v8 =	vmul.f32 $1.000000000e+01, v12;
	s4 =	rddreg [dreg:$0xe]  }
0xe2: {  	[tilespmem:s25+$0x70] =	vst v9;
	v9 =	vmul.f32 $1.000000000e+01, v10;
	s0 =	sadd.s32 s0, s4  }
0xe3: {  	[tilespmem:s5+$0x70] =	vst v8;
	v8 =	vmul.f32 $1.000000000e+01, v14;
	s1 =	sshll.u32 s0, $0x9;
	s0 =	sshll.u32 s0, $0x7  }
0xe4: {  	[tilespmem:s9+$0x30] =	vst v9;
	s1 =	sand.u32 $0xFFF0000, s1;
	s0 =	sand.u32 $0x3F00, s0  }
0xe5: {  	s3 =	simm.s32 $0xA500;
	s20 =	rddreg [dreg:$0x2];
	[tilespmem:s26+$0x70] =	vst v8;
	s0 =	sor.u32 s0, s1  }
0xe6: {  	s21 =	simm.s32 $0x0;
	s22 =	rddreg [dreg:$0x8];
	s1 =	sadd.s32 s20, s0  }
0xe7: {  	[hbm4b:s1+s21] =	stream.linear.scatter [tilespmem:s3], [sflag:$0x3], $0x400, $0x38;
	[tilespmem:$0xC500] =	vst v63  }
0xe8: {  	s23 =	simm.s32 $0xA900;
	s24 =	rddreg [dreg:$0x9];
	s1 =	sadd.s32 s0, s22  }
0xe9: {  	[hbm4b:s1+s21] =	stream.linear.scatter [tilespmem:s23], [sflag:$0x3], $0x400, $0x38;
	[tilespmem:$0xC500] =	vst v63  }
0xea: {  	s25 =	simm.s32 $0xAD00;
	s26 =	rddreg [dreg:$0xa];
	s1 =	sadd.s32 s0, s24  }
0xeb: {  	[hbm4b:s1+s21] =	stream.linear.scatter [tilespmem:s25], [sflag:$0x3], $0x400, $0x38;
	[tilespmem:$0xC500] =	vst v63  }
0xec: {  	s28 =	simm.s32 $0xB100;
	s30 =	simm.s32 $0x2;
	s0 =	sadd.s32 s0, s26  }
0xed: {  	[hbm4b:s0+s21] =	stream.linear.scatter [tilespmem:s28], [sflag:$0x3], $0x400, $0x38;
	[tilespmem:$0xC500] =	vst v63  }
0xee: {  	s29 =	sor.u32 $0x1, s4;
	_ =	swait.ge [sflag:s30], $0x1000  }
0xef: {  	p0 =	sgt.u32 s29, $0xC6;
	[sflag:s30] =	ssyncset.done $0x0  }
0xf0: {  	s1 =	simm.s32 @!p0 $0x3;
	[dreg:$0x10] =	wrdreg s29;
	[sflag:s30] =	ssyncadd.s32 $0xFFFFF000  }
0xf1: {  	_ =	swait.ge @!p0 [sflag:s1], $0x400  }
0xf2: {  	[sflag:s1] =	ssyncset.done @!p0 $0x0  }
0xf3: {  	[sflag:s1] =	ssyncadd.s32 @!p0 $0xFFFFFC00  }
0xf4: {  	_ =	swait.ge @!p0 [sflag:s1], $0x400  }
0xf5: {  	[sflag:s1] =	ssyncset.done @!p0 $0x0  }
0xf6: {  	[sflag:s1] =	ssyncadd.s32 @!p0 $0xFFFFFC00  }
0xf7: {  	_ =	swait.ge @!p0 [sflag:s1], $0x400  }
0xf8: {  	[sflag:s1] =	ssyncset.done @!p0 $0x0  }
0xf9: {  	[sflag:s1] =	ssyncadd.s32 @!p0 $0xFFFFFC00  }
0xfa: {  	s31 =	simm.s32 $0x74F0;
	s2 =	simm.s32 @!p0 $0x80;
	_ =	swait.ge @!p0 [sflag:s1], $0x400  }
0xfb: {  	s3 =	simm.s32 @!p0 $0x6400;
	[sflag:s1] =	ssyncset.done @!p0 $0x0;
	s0 =	rddreg [dreg:$0xf]  }
0xfc: {  	[sflag:s1] =	ssyncadd.s32 @!p0 $0xFFFFFC00;
	s1 =	sadd.s32 @!p0 $0x100, s0;
	s0 =	rddreg [dreg:$0x5]  }
0xfd: {  	[tilespmem:s3], [sflag:$0x1] =	stream.indirect.gather @!p0 [hbm4b:s0+s2], $0x20, s1, s2, $0xb8;
	[tilespmem:$0xC500] =	vst v63  }
0xfe: {  	v8 =	vld [tilespmem:s31+$0xFFFFFFF0]  }
0xff: {  	v9 =	vld [tilespmem:s31+$0xFFFFFF30]  }
0x100: {  	v10 =	vld [tilespmem:s31+$0xFFFFFF50]  }
0x101: {  	v11 =	vld [tilespmem:s31+$0xFFFFFF70]  }
0x102: {  	s1 =	simm.s32 $0x9577;
	v12 =	vld [tilespmem:s31+$0xFFFFFF90]  }
0x103: {  	v13 =	vld [tilespmem:s31+$0xFFFFFFB0];
	[tilespmem:s1+$0xFFFFFFF0] =	vst v8  }
0x104: {  	v14 =	vld [tilespmem:s31+$0xFFFFFF10];
	[tilespmem:s1+$0xFFFFFF2A] =	vst v9  }
0x105: {  	[tilespmem:s1+$0xFFFFFF4B] =	vst v10;
	v9 =	vld [tilespmem:s31+$0x0]  }
0x106: {  	v10 =	vld [tilespmem:s31+$0xFFFFFFD0];
	[tilespmem:s1+$0xFFFFFF6C] =	vst v11  }
0x107: {  	[tilespmem:s1+$0xFFFFFF8D] =	vst v12;
	v15 =	vld [tilespmem:s31+$0xFFFFFF40]  }
0x108: {  	[tilespmem:s1+$0xFFFFFFAE] =	vst v13;
	v12 =	vld [tilespmem:s31+$0xFFFFFF60]  }
0x109: {  	[tilespmem:s1+$0xFFFFFF09] =	vst v14;
	v8 =	vld [tilespmem:s31+$0xFFFFFF80]  }
0x10a: {  	[tilespmem:s1+$0x0] =	vst v9;
	v9 =	vld [tilespmem:s31+$0xFFFFFFA0]  }
0x10b: {  	v11 =	vld [tilespmem:s31+$0xFFFFFFC0];
	[tilespmem:s1+$0xFFFFFFCF] =	vst v10  }
0x10c: {  	v10 =	vld [tilespmem:s31+$0xFFFFFF20];
	[tilespmem:s1+$0xFFFFFF3A] =	vst v15  }
0x10d: {  	s13 =	simm.s32 $0xB570;
	s2 =	simm.s32 $0x0;
	s3 =	simm.s32 $0x75F0;
	[tilespmem:s1+$0xFFFFFF5B] =	vst v12;
	v12 =	vld [tilespmem:s31+$0xFFFFFFE0]  }
.LBB2_7:
0x10e: {  	v13 =	vld [tilespmem:s3+$0xFFFFFFF0];
	s2 =	sadd.s32 $0x8, s2;
	[tilespmem:s1+$0xFFFFFF7C] =	vst v8  }
0x10f: {  	v8 =	vld [tilespmem:s3+$0xFFFFFF30];
	p0 =	slt.u32 s2, $0x78;
	[tilespmem:s1+$0xFFFFFF9D] =	vst v9  }
0x110: {  	v9 =	vld [tilespmem:s3+$0xFFFFFF50];
	[tilespmem:s1+$0xFFFFFFBE] =	vst v11  }
0x111: {  	v11 =	vld [tilespmem:s3+$0xFFFFFF70];
	[tilespmem:s1+$0xFFFFFF19] =	vst v10  }
0x112: {  	v10 =	vld [tilespmem:s3+$0xFFFFFF90];
	[tilespmem:s1+$0xFFFFFFDF] =	vst v12;
	s1 =	sadd.s32 $0x108, s1  }
0x113: {  	v12 =	vld [tilespmem:s3+$0xFFFFFFB0];
	[tilespmem:s1+$0xFFFFFFF0] =	vst v13  }
0x114: {  	[tilespmem:s1+$0xFFFFFF2A] =	vst v8;
	v13 =	vld [tilespmem:s3+$0x0]  }
0x115: {  	[tilespmem:s1+$0xFFFFFF4B] =	vst v9;
	v14 =	vld [tilespmem:s3+$0xFFFFFFD0]  }
0x116: {  	v15 =	vld [tilespmem:s3+$0xFFFFFF10];
	[tilespmem:s1+$0xFFFFFF6C] =	vst v11  }
0x117: {  	v16 =	vld [tilespmem:s3+$0xFFFFFF40];
	[tilespmem:s1+$0xFFFFFF8D] =	vst v10  }
0x118: {  	v17 =	vld [tilespmem:s3+$0xFFFFFF60];
	[tilespmem:s1+$0xFFFFFFAE] =	vst v12  }
.Ltmp2:
0x119: {  	s30 =	simm.s32 $0x0;
	s4 =	simm.s32 $0x180;
	v8 =	vld [tilespmem:s3+$0xFFFFFF80];
	[tilespmem:s1+$0x0] =	vst v13;
	(pc) =	sbr.rel @p0 .LBB2_7-.Ltmp2, $4  }
0x11a: {  	v9 =	vld [tilespmem:s3+$0xFFFFFFA0];
	[tilespmem:s1+$0xFFFFFFCF] =	vst v14  }
0x11b: {  	[tilespmem:s1+$0xFFFFFF09] =	vst v15;
	v11 =	vld [tilespmem:s3+$0xFFFFFFC0]  }
0x11c: {  	v10 =	vld [tilespmem:s3+$0xFFFFFF20];
	[tilespmem:s1+$0xFFFFFF3A] =	vst v16  }
0x11d: {  	[tilespmem:s1+$0xFFFFFF5B] =	vst v17;
	v12 =	vld [tilespmem:s3+$0xFFFFFFE0];
	s3 =	sadd.s32 $0x100, s3  }
0x11e: {  	s8 =	simm.s32 $0x3  }
0x11f: {  	[tilespmem:s1+$0xFFFFFF7C] =	vst v8;
	s2 =	simm.s32 $0x2;
	v8 =	vadd.s32 s8, v0  }
0x120: {  	[tilespmem:s1+$0xFFFFFF9D] =	vst v9;
	v9 =	vadd.s32 s2, v0  }
0x121: {  	[tilespmem:s1+$0xFFFFFFBE] =	vst v11  }
0x122: {  	[tilespmem:s1+$0xFFFFFF19] =	vst v10;
	v10 =	vadd.s32 s30, v0  }
0x123: {  	s22 =	simm.s32 $0x9480;
	[tilespmem:s1+$0xFFFFFFDF] =	vst v12  }
0x124: {  	v8 =	vld.idx.msk [tilespmem:v8+s22+$0x0], $0xffff  }
0x125: {  	v9 =	vld.idx.msk [tilespmem:v9+s22+$0x0], $0xffff;
	_ =	sdelay $0x1  }
0x126: {  	s14 =	simm.s32 $0x0;
	v11 =	vadd.s32 s8, v1;
	v10 =	vld.idx.msk [tilespmem:v10+s22+$0x0], $0xffff  }
0x127: {  	s15 =	sand.u32 $0x380, s4;
	s1 =	sand.u32 $0xC00, s14;
	v12 =	vadd.s32 s2, v1  }
0x128: {  	s16 =	simm.s32 $0x100;
	s7 =	simm.s32 $0x1;
	s3 =	sadd.s32 $0xA500, s1;
	v8 =	vmul.f32 $1.000000000e+01, v8  }
0x129: {  	v13 =	vadd.s32 s7, v0;
	s1 =	sand.u32 $0x300, s16;
	s23 =	sadd.s32 s15, s3;
	v9 =	vmul.f32 $1.000000000e+01, v9  }
0x12a: {  	s14 =	sadd.s32 s1, s3;
	[tilespmem:s23+$0x1000] =	vst v8;
	v8 =	vadd.s32 s30, v1  }
0x12b: {  	v10 =	vmul.f32 $1.000000000e+01, v10;
	[tilespmem:s14+$0x1000] =	vst v9;
	v11 =	vld.idx.msk [tilespmem:v11+s22+$0x0], $0xffff  }
0x12c: {  	s6 =	simm.s32 $0x6;
	v9 =	vld.idx.msk [tilespmem:v12+s22+$0x0], $0xffff  }
0x12d: {  	[tilespmem:s13+$0xFFFFFF90] =	vst v10;
	v10 =	vadd.s32 s6, v0  }
0x12e: {  	v13 =	vld.idx.msk [tilespmem:v13+s22+$0x0], $0xffff;
	v12 =	vadd.s32 s8, v2  }
0x12f: {  	v15 =	vadd.s32 s2, v2;
	s16 =	simm.s32 $0x7;
	v8 =	vld.idx.msk [tilespmem:v8+s22+$0x0], $0xffff  }
0x130: {  	v14 =	vadd.s32 s16, v0;
	v11 =	vmul.f32 $1.000000000e+01, v11  }
0x131: {  	v17 =	vadd.s32 s7, v1;
	v9 =	vmul.f32 $1.000000000e+01, v9  }
0x132: {  	v16 =	vadd.s32 s30, v2;
	s11 =	simm.s32 $0x5;
	s17 =	simm.s32 $0x80;
	v10 =	vld.idx.msk [tilespmem:v10+s22+$0x0], $0xffff;
	[tilespmem:s23+$0x1010] =	vst v11  }
0x133: {  	s10 =	simm.s32 $0x4;
	s4 =	sand.u32 $0x280, s17;
	v13 =	vmul.f32 $1.000000000e+01, v13;
	[tilespmem:s14+$0x1010] =	vst v9;
	v9 =	vadd.s32 s11, v0;
	v11 =	vld.idx.msk [tilespmem:v12+s22+$0x0], $0xffff  }
0x134: {  	s5 =	sor.u32 s4, s3;
	v12 =	vadd.s32 s10, v0;
	v15 =	vld.idx.msk [tilespmem:v15+s22+$0x0], $0xffff;
	v8 =	vmul.f32 $1.000000000e+01, v8  }
0x135: {  	s18 =	simm.s32 $0x200;
	v18 =	vadd.s32 s6, v1;
	v14 =	vld.idx.msk [tilespmem:v14+s22+$0x0], $0xffff;
	[tilespmem:s5+$0x1000] =	vst v13  }
0x136: {  	s19 =	simm.s32 $0x300;
	s3 =	sand.u32 $0xC00, s18;
	v17 =	vld.idx.msk [tilespmem:v17+s22+$0x0], $0xffff;
	[tilespmem:s13+$0xFFFFFFA0] =	vst v8;
	v8 =	vadd.s32 s8, v3  }
0x137: {  	v19 =	vadd.s32 s2, v3;
	s4 =	sand.u32 $0x300, s19;
	s3 =	sadd.s32 $0xA500, s3;
	v10 =	vmul.f32 $1.000000000e+01, v10;
	v16 =	vld.idx.msk [tilespmem:v16+s22+$0x0], $0xffff  }
0x138: {  	s29 =	sadd.s32 s4, s3;
	v13 =	vadd.s32 s16, v1;
	v9 =	vld.idx.msk [tilespmem:v9+s22+$0x0], $0xffff;
	v11 =	vmul.f32 $1.000000000e+01, v11  }
0x139: {  	s9 =	simm.s32 $0x380;
	v12 =	vld.idx.msk [tilespmem:v12+s22+$0x0], $0xffff;
	v15 =	vmul.f32 $1.000000000e+01, v15;
	[tilespmem:s29+$0x1000] =	vst v10  }
0x13a: {  	s12 =	simm.s32 $0x8;
	s20 =	sand.u32 $0x380, s9;
	v18 =	vld.idx.msk [tilespmem:v18+s22+$0x0], $0xffff;
	[tilespmem:s23+$0x1020] =	vst v11;
	v11 =	vmul.f32 $1.000000000e+01, v14;
	v14 =	vadd.s32 s30, v3  }
0x13b: {  	v22 =	vadd.s32 s12, v0;
	s28 =	sadd.s32 s20, s3;
	v17 =	vmul.f32 $1.000000000e+01, v17;
	[tilespmem:s14+$0x1020] =	vst v15;
	v8 =	vld.idx.msk [tilespmem:v8+s22+$0x0], $0xffff  }
0x13c: {  	s21 =	simm.s32 $0x280;
	v10 =	vadd.s32 s10, v1;
	v19 =	vld.idx.msk [tilespmem:v19+s22+$0x0], $0xffff;
	v16 =	vmul.f32 $1.000000000e+01, v16;
	[tilespmem:s28+$0x1000] =	vst v11  }
0x13d: {  	s4 =	sand.u32 $0x280, s21;
	[tilespmem:s5+$0x1010] =	vst v17;
	v11 =	vadd.s32 s7, v2;
	v9 =	vmul.f32 $1.000000000e+01, v9;
	v13 =	vld.idx.msk [tilespmem:v13+s22+$0x0], $0xffff  }
0x13e: {  	s17 =	sor.u32 s4, s3;
	v15 =	vadd.s32 s11, v1;
	v12 =	vmul.f32 $1.000000000e+01, v12;
	[tilespmem:s13+$0xFFFFFFB0] =	vst v16  }
0x13f: {  	s15 =	simm.s32 $0xB770;
	v16 =	vadd.s32 s6, v2;
	[tilespmem:s17+$0x1000] =	vst v9;
	v9 =	vmul.f32 $1.000000000e+01, v18;
	v14 =	vld.idx.msk [tilespmem:v14+s22+$0x0], $0xffff  }
0x140: {  	v22 =	vld.idx.msk [tilespmem:v22+s22+$0x0], $0xffff;
	[tilespmem:s15+$0xFFFFFF90] =	vst v12;
	v12 =	vadd.s32 s16, v2;
	v8 =	vmul.f32 $1.000000000e+01, v8  }
0x141: {  	v17 =	vadd.s32 s2, v4;
	v10 =	vld.idx.msk [tilespmem:v10+s22+$0x0], $0xffff;
	[tilespmem:s29+$0x1010] =	vst v9;
	v9 =	vmul.f32 $1.000000000e+01, v19  }
0x142: {  	s19 =	simm.s32 $0xA;
	v11 =	vld.idx.msk [tilespmem:v11+s22+$0x0], $0xffff;
	[tilespmem:s23+$0x1030] =	vst v8;
	v8 =	vmul.f32 $1.000000000e+01, v13;
	v13 =	vadd.s32 s30, v4  }
0x143: {  	v15 =	vld.idx.msk [tilespmem:v15+s22+$0x0], $0xffff;
	[tilespmem:s14+$0x1030] =	vst v9;
	v9 =	vadd.s32 s19, v0  }
0x144: {  	v18 =	vadd.s32 s10, v2;
	v16 =	vld.idx.msk [tilespmem:v16+s22+$0x0], $0xffff;
	[tilespmem:s28+$0x1010] =	vst v8;
	v8 =	vmul.f32 $1.000000000e+01, v14  }
0x145: {  	s18 =	simm.s32 $0x9;
	v14 =	vadd.s32 s7, v3;
	v12 =	vld.idx.msk [tilespmem:v12+s22+$0x0], $0xffff  }
0x146: {  	v19 =	vadd.s32 s18, v0;
	v10 =	vmul.f32 $1.000000000e+01, v10;
	[tilespmem:s13+$0xFFFFFFC0] =	vst v8;
	v8 =	vld.idx.msk [tilespmem:v17+s22+$0x0], $0xffff  }
0x147: {  	v20 =	vadd.s32 s8, v4;
	s20 =	simm.s32 $0xB;
	v11 =	vmul.f32 $1.000000000e+01, v11;
	v13 =	vld.idx.msk [tilespmem:v13+s22+$0x0], $0xffff  }
0x148: {  	v17 =	vadd.s32 s20, v0;
	[tilespmem:s15+$0xFFFFFFA0] =	vst v10;
	v9 =	vld.idx.msk [tilespmem:v9+s22+$0x0], $0xffff  }
0x149: {  	v15 =	vmul.f32 $1.000000000e+01, v15;
	v10 =	vld.idx.msk [tilespmem:v18+s22+$0x0], $0xffff;
	v18 =	vadd.s32 s16, v3;
	[tilespmem:s5+$0x1020] =	vst v11  }
0x14a: {  	v16 =	vmul.f32 $1.000000000e+01, v16;
	v11 =	vld.idx.msk [tilespmem:v14+s22+$0x0], $0xffff;
	v14 =	vadd.s32 s6, v3  }
0x14b: {  	v21 =	vadd.s32 s30, v5;
	v19 =	vld.idx.msk [tilespmem:v19+s22+$0x0], $0xffff;
	[tilespmem:s17+$0x1010] =	vst v15;
	v12 =	vmul.f32 $1.000000000e+01, v12  }
0x14c: {  	s24 =	simm.s32 $0x400;
	v20 =	vld.idx.msk [tilespmem:v20+s22+$0x0], $0xffff;
	v15 =	vadd.s32 s2, v5;
	[tilespmem:s29+$0x1020] =	vst v16;
	v8 =	vmul.f32 $1.000000000e+01, v8  }
0x14d: {  	s25 =	simm.s32 $0x500;
	s3 =	sand.u32 $0xC00, s24;
	v13 =	vmul.f32 $1.000000000e+01, v13;
	[tilespmem:s28+$0x1020] =	vst v12;
	v12 =	vld.idx.msk [tilespmem:v17+s22+$0x0], $0xffff;
	v17 =	vadd.s32 s7, v4  }
0x14e: {  	s4 =	sand.u32 $0x300, s25;
	s3 =	sadd.s32 $0xA500, s3;
	v16 =	vadd.s32 s19, v1;
	v9 =	vmul.f32 $1.000000000e+01, v9;
	v18 =	vld.idx.msk [tilespmem:v18+s22+$0x0], $0xffff;
	[tilespmem:s14+$0x1040] =	vst v8  }
0x14f: {  	s26 =	simm.s32 $0x480;
	s24 =	sadd.s32 s4, s3;
	[tilespmem:s13+$0xFFFFFFD0] =	vst v13;
	v13 =	vadd.s32 s18, v1;
	v23 =	vld.idx.msk [tilespmem:v14+s22+$0x0], $0xffff;
	v11 =	vmul.f32 $1.000000000e+01, v11  }
0x150: {  	s9 =	sand.u32 $0x280, s26;
	v19 =	vmul.f32 $1.000000000e+01, v19;
	[tilespmem:s24+$0x1000] =	vst v9;
	v9 =	vadd.s32 s10, v3;
	v14 =	vld.idx.msk [tilespmem:v21+s22+$0x0], $0xffff  }
0x151: {  	s4 =	simm.s32 $0x580;
	s25 =	sor.u32 s9, s3;
	v8 =	vmul.f32 $1.000000000e+01, v10;
	v15 =	vld.idx.msk [tilespmem:v15+s22+$0x0], $0xffff;
	v21 =	vadd.s32 s20, v1;
	[tilespmem:s5+$0x1030] =	vst v11  }
0x152: {  	s31 =	sand.u32 $0x380, s4;
	[tilespmem:s25+$0x1000] =	vst v19;
	v11 =	vld.idx.msk [tilespmem:v17+s22+$0x0], $0xffff;
	v12 =	vmul.f32 $1.000000000e+01, v12;
	v17 =	vadd.s32 s16, v4  }
0x153: {  	s21 =	sadd.s32 s31, s3;
	v10 =	vadd.s32 s30, v6;
	v16 =	vld.idx.msk [tilespmem:v16+s22+$0x0], $0xffff;
	[tilespmem:s15+$0xFFFFFFB0] =	vst v8  }
0x154: {  	v13 =	vld.idx.msk [tilespmem:v13+s22+$0x0], $0xffff;
	[tilespmem:s21+$0x1000] =	vst v12;
	v12 =	vmul.f32 $1.000000000e+01, v18;
	v18 =	vadd.s32 s8, v5  }
0x155: {  	v19 =	vadd.s32 s7, v5;
	v24 =	vld.idx.msk [tilespmem:v9+s22+$0x0], $0xffff;
	v14 =	vmul.f32 $1.000000000e+01, v14  }
0x156: {  	v20 =	vmul.f32 $1.000000000e+01, v20;
	v8 =	vld.idx.msk [tilespmem:v21+s22+$0x0], $0xffff;
	v21 =	vadd.s32 s12, v1;
	[tilespmem:s28+$0x1030] =	vst v12  }
0x157: {  	v12 =	vadd.s32 s19, v2;
	v9 =	vld.idx.msk [tilespmem:v17+s22+$0x0], $0xffff;
	[tilespmem:s13+$0xFFFFFFE0] =	vst v14;
	v11 =	vmul.f32 $1.000000000e+01, v11  }
0x158: {  	[tilespmem:s23+$0x1040] =	vst v20;
	v14 =	vmul.f32 $1.000000000e+01, v22;
	v22 =	vadd.s32 s2, v6;
	v10 =	vld.idx.msk [tilespmem:v10+s22+$0x0], $0xffff  }
0x159: {  	v25 =	vadd.s32 s20, v2;
	s9 =	simm.s32 $0xB970;
	v16 =	vmul.f32 $1.000000000e+01, v16;
	[tilespmem:s5+$0x1040] =	vst v11;
	v20 =	vld.idx.msk [tilespmem:v18+s22+$0x0], $0xffff  }
0x15a: {  	[tilespmem:s9+$0xFFFFFF90] =	vst v14;
	v11 =	vmul.f32 $1.000000000e+01, v15;
	v18 =	vld.idx.msk [tilespmem:v19+s22+$0x0], $0xffff  }
0x15b: {  	[tilespmem:s24+$0x1010] =	vst v16;
	v17 =	vld.idx.msk [tilespmem:v21+s22+$0x0], $0xffff;
	v15 =	vmul.f32 $1.000000000e+01, v8;
	v19 =	vadd.s32 s11, v2  }
0x15c: {  	v13 =	vmul.f32 $1.000000000e+01, v13;
	v14 =	vld.idx.msk [tilespmem:v12+s22+$0x0], $0xffff;
	[tilespmem:s14+$0x1050] =	vst v11;
	v12 =	vadd.s32 s6, v4  }
0x15d: {  	v16 =	vmul.f32 $1.000000000e+01, v23;
	v23 =	vadd.s32 s8, v6;
	v11 =	vadd.s32 s10, v4;
	[tilespmem:s21+$0x1010] =	vst v15;
	v21 =	vld.idx.msk [tilespmem:v22+s22+$0x0], $0xffff  }
0x15e: {  	s26 =	simm.s32 $0xC;
	v8 =	vadd.s32 s12, v2;
	[tilespmem:s25+$0x1010] =	vst v13;
	v15 =	vmul.f32 $1.000000000e+01, v24;
	v22 =	vadd.s32 s7, v6;
	v13 =	vld.idx.msk [tilespmem:v25+s22+$0x0], $0xffff  }
.LBB2_9:
0x15f: {  	s31 =	sadd.s32 $0x1, s26  }
0x160: {  	v24 =	vadd.s32 s26, v2;
	s0 =	sadd.s32 $0x2, s26;
	v19 =	vld.idx.msk [tilespmem:v19+s22+$0x0], $0xffff;
	[tilespmem:s29+$0x1030] =	vst v16;
	v16 =	vmul.f32 $1.000000000e+01, v20;
	s1 =	smov.u32 s26;
	s3 =	sadd.s32 $0x4, s26  }
0x161: {  	p0 =	slt.u32 s26, $0x1C;
	v20 =	vadd.s32 s31, v0;
	v25 =	vadd.s32 s0, v0;
	[tilespmem:s15+$0xFFFFFFC0] =	vst v15;
	v12 =	vld.idx.msk [tilespmem:v12+s22+$0x0], $0xffff;
	v15 =	vmul.f32 $1.000000000e+01, v18  }
0x162: {  	s26 =	sadd.s32 $0x3, s1;
	v17 =	vmul.f32 $1.000000000e+01, v17;
	v18 =	vadd.s32 s2, v7;
	s2 =	smov.u32 s6;
	s6 =	smov.u32 s19;
	v11 =	vld.idx.msk [tilespmem:v11+s22+$0x0], $0xffff;
	[tilespmem:s23+$0x1050] =	vst v16  }
0x163: {  	v26 =	vadd.s32 s30, v7;
	s30 =	smov.u32 s10;
	s10 =	smov.u32 s12;
	s19 =	smov.u32 s0;
	v16 =	vadd.s32 s26, v0;
	v14 =	vmul.f32 $1.000000000e+01, v14;
	[tilespmem:s5+$0x1050] =	vst v15;
	v15 =	vld.idx.msk [tilespmem:v23+s22+$0x0], $0xffff  }
0x164: {  	s12 =	smov.u32 s1;
	v21 =	vmul.f32 $1.000000000e+01, v21;
	[tilespmem:s9+$0xFFFFFFA0] =	vst v17;
	v17 =	vadd.s32 s11, v3;
	v22 =	vld.idx.msk [tilespmem:v22+s22+$0x0], $0xffff  }
0x165: {  	v10 =	vmul.f32 $1.000000000e+01, v10;
	v23 =	vld.idx.msk [tilespmem:v8+s22+$0x0], $0xffff;
	[tilespmem:s24+$0x1020] =	vst v14;
	v8 =	vmov v24  }
0x166: {  	v19 =	vmul.f32 $1.000000000e+01, v19;
	v14 =	vld.idx.msk [tilespmem:v20+s22+$0x0], $0xffff;
	[tilespmem:s14+$0x1060] =	vst v21  }
0x167: {  	v13 =	vmul.f32 $1.000000000e+01, v13;
	v20 =	vadd.s32 s8, v7;
	[tilespmem:s13+$0xFFFFFFF0] =	vst v10;
	v10 =	vadd.s32 s7, v7;
	v18 =	vld.idx.msk [tilespmem:v18+s22+$0x0], $0xffff;
	s7 =	smov.u32 s11;
	s11 =	smov.u32 s18;
	s18 =	smov.u32 s31  }
0x168: {  	v24 =	vadd.s32 s20, v3;
	v21 =	vadd.s32 s12, v0;
	s8 =	smov.u32 s16;
	s16 =	smov.u32 s20;
	s20 =	smov.u32 s26;
	v11 =	vmul.f32 $1.000000000e+01, v11;
	[tilespmem:s17+$0x1020] =	vst v19;
	v19 =	vld.idx.msk [tilespmem:v26+s22+$0x0], $0xffff  }
0x169: {  	s4 =	sadd.s32 $0x200, s4;
	v15 =	vmul.f32 $1.000000000e+01, v15;
	[tilespmem:s21+$0x1020] =	vst v13;
	v13 =	vadd.s32 s30, v5;
	v17 =	vld.idx.msk [tilespmem:v17+s22+$0x0], $0xffff  }
0x16a: {  	v9 =	vmul.f32 $1.000000000e+01, v9;
	s0 =	sadd.s32 $0xFFFFFE80, s4;
	v26 =	vadd.s32 s6, v3;
	v25 =	vld.idx.msk [tilespmem:v25+s22+$0x0], $0xffff;
	[tilespmem:s15+$0xFFFFFFD0] =	vst v11;
	v11 =	vmul.f32 $1.000000000e+01, v22  }
0x16b: {  	s1 =	sadd.s32 $0xFFFFFF00, s4;
	s0 =	sand.u32 $0xC00, s0;
	v27 =	vadd.s32 s19, v1;
	v12 =	vmul.f32 $1.000000000e+01, v12;
	v22 =	vadd.s32 s18, v1;
	v16 =	vld.idx.msk [tilespmem:v16+s22+$0x0], $0xffff;
	[tilespmem:s23+$0x1060] =	vst v15  }
0x16c: {  	s1 =	sand.u32 $0x280, s1;
	s0 =	sadd.s32 $0xA500, s0;
	[tilespmem:s28+$0x1040] =	vst v9;
	v9 =	vld.idx.msk [tilespmem:v20+s22+$0x0], $0xffff  }
0x16d: {  	s26 =	sor.u32 s1, s0;
	s1 =	sadd.s32 $0xFFFFFF80, s4;
	v15 =	vadd.s32 s20, v1;
	v20 =	vld.idx.msk [tilespmem:v24+s22+$0x0], $0xffff;
	v24 =	vadd.s32 s7, v4;
	[tilespmem:s5+$0x1060] =	vst v11;
	v11 =	vmul.f32 $1.000000000e+01, v18  }
0x16e: {  	s1 =	sand.u32 $0x300, s1;
	v14 =	vmul.f32 $1.000000000e+01, v14;
	[tilespmem:s29+$0x1040] =	vst v12;
	v10 =	vld.idx.msk [tilespmem:v10+s22+$0x0], $0xffff  }
0x16f: {  	s31 =	sand.u32 $0x380, s4;
	s1 =	sadd.s32 s1, s0;
	v12 =	vmul.f32 $1.000000000e+01, v17;
	v26 =	vld.idx.msk [tilespmem:v26+s22+$0x0], $0xffff;
	[tilespmem:s14+$0x1070] =	vst v11;
	s14 =	smov.u32 s29  }
0x170: {  	s0 =	sadd.s32 s31, s0;
	v11 =	vmul.f32 $1.000000000e+01, v25;
	s29 =	smov.u32 s24;
	s24 =	smov.u32 s1;
	[tilespmem:s26+$0x1000] =	vst v14;
	v13 =	vld.idx.msk [tilespmem:v13+s22+$0x0], $0xffff;
	v14 =	vadd.s32 s2, v5  }
0x171: {  	v16 =	vmul.f32 $1.000000000e+01, v16;
	v17 =	vld.idx.msk [tilespmem:v21+s22+$0x0], $0xffff;
	[tilespmem:s17+$0x1030] =	vst v12  }
0x172: {  	v12 =	vadd.s32 s10, v3;
	v9 =	vmul.f32 $1.000000000e+01, v9;
	[tilespmem:s24+$0x1000] =	vst v11;
	v11 =	vmul.f32 $1.000000000e+01, v23;
	v18 =	vld.idx.msk [tilespmem:v24+s22+$0x0], $0xffff  }
0x173: {  	v19 =	vmul.f32 $1.000000000e+01, v19;
	v21 =	vld.idx.msk [tilespmem:v27+s22+$0x0], $0xffff;
	[tilespmem:s0+$0x1000] =	vst v16;
	v16 =	vadd.s32 s16, v4  }
0x174: {  	v20 =	vmul.f32 $1.000000000e+01, v20;
	v23 =	vadd.s32 s30, v6;
	v24 =	vmul.f32 $1.000000000e+01, v10;
	v22 =	vld.idx.msk [tilespmem:v22+s22+$0x0], $0xffff;
	[tilespmem:s23+$0x1070] =	vst v9;
	s23 =	smov.u32 s28;
	s28 =	smov.u32 s21;
	s21 =	smov.u32 s0  }
0x175: {  	[tilespmem:s9+$0xFFFFFFB0] =	vst v11;
	v11 =	vld.idx.msk [tilespmem:v14+s22+$0x0], $0xffff;
	v14 =	vadd.s32 s8, v5  }
0x176: {  	v10 =	vmul.f32 $1.000000000e+01, v13;
	v13 =	vadd.s32 s7, v5;
	v15 =	vld.idx.msk [tilespmem:v15+s22+$0x0], $0xffff;
	[tilespmem:s13+$0x0] =	vst v19;
	s13 =	smov.u32 s15;
	s15 =	smov.u32 s9  }
0x177: {  	v25 =	vadd.s32 s12, v1;
	v27 =	vld.idx.msk [tilespmem:v12+s22+$0x0], $0xffff;
	[tilespmem:s28+$0x1030] =	vst v20  }
0x178: {  	v28 =	vadd.s32 s19, v2;
	v12 =	vmul.f32 $1.000000000e+01, v17;
	v9 =	vld.idx.msk [tilespmem:v16+s22+$0x0], $0xffff;
	[tilespmem:s13+$0xFFFFFFE0] =	vst v10;
	v16 =	vmul.f32 $1.000000000e+01, v18  }
0x179: {  	s9 =	sadd.s32 $0x200, s9;
	v10 =	vld.idx.msk [tilespmem:v23+s22+$0x0], $0xffff;
	v23 =	vadd.s32 s2, v6;
	[tilespmem:s5+$0x1070] =	vst v24;
	s5 =	smov.u32 s17;
	s17 =	smov.u32 s25  }
0x17a: {  	v21 =	vmul.f32 $1.000000000e+01, v21;
	v24 =	vadd.s32 s20, v2;
	s25 =	smov.u32 s26;
	[tilespmem:s5+$0x1040] =	vst v16;
	v20 =	vld.idx.msk [tilespmem:v14+s22+$0x0], $0xffff  }
.Ltmp3:
0x17b: {  	v19 =	vadd.s32 s11, v2;
	v22 =	vmul.f32 $1.000000000e+01, v22;
	[tilespmem:s9+$0xFFFFFF90] =	vst v12;
	v18 =	vld.idx.msk [tilespmem:v13+s22+$0x0], $0xffff;
	v13 =	vmul.f32 $1.000000000e+01, v11;
	(pc) =	sbr.rel @p0 .LBB2_9-.Ltmp3, $4  }
0x17c: {  	v15 =	vmul.f32 $1.000000000e+01, v15;
	v12 =	vadd.s32 s6, v4;
	v17 =	vld.idx.msk [tilespmem:v25+s22+$0x0], $0xffff;
	[tilespmem:s24+$0x1010] =	vst v21  }
0x17d: {  	v11 =	vadd.s32 s10, v4;
	v14 =	vld.idx.msk [tilespmem:v28+s22+$0x0], $0xffff;
	[tilespmem:s14+$0x1050] =	vst v13  }
0x17e: {  	v16 =	vmul.f32 $1.000000000e+01, v26;
	[tilespmem:s21+$0x1010] =	vst v15;
	v21 =	vld.idx.msk [tilespmem:v23+s22+$0x0], $0xffff;
	v23 =	vadd.s32 s8, v6  }
0x17f: {  	s26 =	smov.u32 s3;
	v15 =	vmul.f32 $1.000000000e+01, v27;
	[tilespmem:s25+$0x1010] =	vst v22;
	v13 =	vld.idx.msk [tilespmem:v24+s22+$0x0], $0xffff;
	v22 =	vadd.s32 s7, v6  }
0x180: {  	_ = 	snop  }
0x181: {  	v20 =	vmul.f32 $1.000000000e+01, v20;
	[tilespmem:s29+$0x1030] =	vst v16  }
0x182: {  	v18 =	vmul.f32 $1.000000000e+01, v18;
	[tilespmem:s15+$0xFFFFFFC0] =	vst v15  }
0x183: {  	v10 =	vmul.f32 $1.000000000e+01, v10;
	[tilespmem:s23+$0x1050] =	vst v20  }
0x184: {  	v45 =	vadd.s32 s18, v2;
	v19 =	vld.idx.msk [tilespmem:v19+s22+$0x0], $0xffff;
	v9 =	vmul.f32 $1.000000000e+01, v9;
	[tilespmem:s5+$0x1050] =	vst v18  }
0x185: {  	v41 =	vadd.s32 s2, v7;
	v17 =	vmul.f32 $1.000000000e+01, v17;
	v12 =	vld.idx.msk [tilespmem:v12+s22+$0x0], $0xffff;
	[tilespmem:s13+$0xFFFFFFF0] =	vst v10  }
0x186: {  	v25 =	vadd.s32 s30, v7;
	v53 =	vmul.f32 $1.000000000e+01, v14;
	[tilespmem:s28+$0x1040] =	vst v9;
	v20 =	vld.idx.msk [tilespmem:v23+s22+$0x0], $0xffff  }
0x187: {  	v21 =	vmul.f32 $1.000000000e+01, v21;
	v44 =	vld.idx.msk [tilespmem:v22+s22+$0x0], $0xffff;
	[tilespmem:s9+$0xFFFFFFA0] =	vst v17  }
0x188: {  	v48 =	vadd.s32 s11, v3;
	v8 =	vld.idx.msk [tilespmem:v8+s22+$0x0], $0xffff;
	v13 =	vmul.f32 $1.000000000e+01, v13;
	[tilespmem:s24+$0x1020] =	vst v53  }
0x189: {  	v50 =	vadd.s32 s19, v3;
	[tilespmem:s14+$0x1060] =	vst v21;
	v51 =	vld.idx.msk [tilespmem:v45+s22+$0x0], $0xffff;
	v19 =	vmul.f32 $1.000000000e+01, v19  }
0x18a: {  	v52 =	vadd.s32 s20, v3;
	v42 =	vld.idx.msk [tilespmem:v41+s22+$0x0], $0xffff;
	[tilespmem:s21+$0x1020] =	vst v13;
	v12 =	vmul.f32 $1.000000000e+01, v12  }
0x18b: {  	v46 =	vadd.s32 s7, v7;
	v10 =	vld.idx.msk [tilespmem:v25+s22+$0x0], $0xffff;
	[tilespmem:s17+$0x1020] =	vst v19;
	v20 =	vmul.f32 $1.000000000e+01, v20  }
0x18c: {  	v55 =	vadd.s32 s12, v3;
	v11 =	vld.idx.msk [tilespmem:v11+s22+$0x0], $0xffff;
	v49 =	vmul.f32 $1.000000000e+01, v44;
	[tilespmem:s29+$0x1040] =	vst v12  }
0x18d: {  	v56 =	vadd.s32 s18, v3;
	v57 =	vld.idx.msk [tilespmem:v48+s22+$0x0], $0xffff;
	v8 =	vmul.f32 $1.000000000e+01, v8;
	[tilespmem:s23+$0x1060] =	vst v20  }
0x18e: {  	v27 =	vadd.s32 s16, v5;
	v58 =	vld.idx.msk [tilespmem:v50+s22+$0x0], $0xffff;
	[tilespmem:s5+$0x1060] =	vst v49;
	v59 =	vmul.f32 $1.000000000e+01, v51  }
0x18f: {  	v24 =	vadd.s32 s8, v7;
	v60 =	vld.idx.msk [tilespmem:v52+s22+$0x0], $0xffff;
	v20 =	vmul.f32 $1.000000000e+01, v42;
	[tilespmem:s9+$0xFFFFFFB0] =	vst v8  }
0x190: {  	v10 =	vmul.f32 $1.000000000e+01, v10;
	v54 =	vld.idx.msk [tilespmem:v46+s22+$0x0], $0xffff;
	v8 =	vadd.s32 s11, v4;
	[tilespmem:s25+$0x1020] =	vst v59  }
0x191: {  	v26 =	vadd.s32 s6, v5;
	v11 =	vmul.f32 $1.000000000e+01, v11;
	[tilespmem:s14+$0x1070] =	vst v20;
	v20 =	vld.idx.msk [tilespmem:v55+s22+$0x0], $0xffff  }
0x192: {  	v61 =	vadd.s32 s19, v4;
	[tilespmem:s13+$0x0] =	vst v10;
	v17 =	vld.idx.msk [tilespmem:v56+s22+$0x0], $0xffff;
	v10 =	vmul.f32 $1.000000000e+01, v57  }
0x193: {  	v62 =	vadd.s32 s20, v4;
	v35 =	vld.idx.msk [tilespmem:v27+s22+$0x0], $0xffff;
	[tilespmem:s15+$0xFFFFFFD0] =	vst v11;
	v13 =	vmul.f32 $1.000000000e+01, v58  }
0x194: {  	v63 =	vadd.s32 s12, v4;
	v43 =	vld.idx.msk [tilespmem:v24+s22+$0x0], $0xffff;
	v24 =	vmul.f32 $1.000000000e+01, v60;
	[tilespmem:s17+$0x1030] =	vst v10  }
0x195: {  	v25 =	vadd.s32 s18, v4;
	[tilespmem:s24+$0x1030] =	vst v13;
	v14 =	vmul.f32 $1.000000000e+01, v54;
	v8 =	vld.idx.msk [tilespmem:v8+s22+$0x0], $0xffff  }
0x196: {  	v33 =	vld.idx.msk [tilespmem:v26+s22+$0x0], $0xffff;
	[tilespmem:s21+$0x1030] =	vst v24;
	v20 =	vmul.f32 $1.000000000e+01, v20  }
0x197: {  	v30 =	vadd.s32 s10, v5;
	v28 =	vld.idx.msk [tilespmem:v61+s22+$0x0], $0xffff;
	[tilespmem:s5+$0x1070] =	vst v14;
	v29 =	vmul.f32 $1.000000000e+01, v17  }
0x198: {  	v31 =	vadd.s32 s11, v5;
	v14 =	vld.idx.msk [tilespmem:v62+s22+$0x0], $0xffff;
	[tilespmem:s9+$0xFFFFFFC0] =	vst v20  }
0x199: {  	v38 =	vadd.s32 s6, v6;
	v11 =	vmul.f32 $1.000000000e+01, v35;
	[tilespmem:s25+$0x1030] =	vst v29;
	v15 =	vld.idx.msk [tilespmem:v63+s22+$0x0], $0xffff  }
0x19a: {  	v32 =	vadd.s32 s19, v5;
	v16 =	vld.idx.msk [tilespmem:v25+s22+$0x0], $0xffff;
	v8 =	vmul.f32 $1.000000000e+01, v8  }
0x19b: {  	v34 =	vadd.s32 s20, v5;
	[tilespmem:s28+$0x1050] =	vst v11;
	v9 =	vmul.f32 $1.000000000e+01, v33  }
0x19c: {  	v36 =	vadd.s32 s12, v5;
	v10 =	vmul.f32 $1.000000000e+01, v28;
	v17 =	vld.idx.msk [tilespmem:v30+s22+$0x0], $0xffff;
	[tilespmem:s17+$0x1040] =	vst v8  }
0x19d: {  	v37 =	vadd.s32 s18, v5;
	[tilespmem:s29+$0x1050] =	vst v9;
	v8 =	vmul.f32 $1.000000000e+01, v14;
	v20 =	vld.idx.msk [tilespmem:v31+s22+$0x0], $0xffff  }
0x19e: {  	v39 =	vadd.s32 s16, v6;
	v46 =	vld.idx.msk [tilespmem:v38+s22+$0x0], $0xffff;
	[tilespmem:s24+$0x1040] =	vst v10;
	v15 =	vmul.f32 $1.000000000e+01, v15  }
0x19f: {  	v41 =	vadd.s32 s10, v6;
	[tilespmem:s21+$0x1040] =	vst v8;
	v8 =	vld.idx.msk [tilespmem:v32+s22+$0x0], $0xffff;
	v40 =	vmul.f32 $1.000000000e+01, v16  }
0x1a0: {  	v47 =	vmul.f32 $1.000000000e+01, v43;
	v43 =	vadd.s32 s11, v6;
	v42 =	vld.idx.msk [tilespmem:v34+s22+$0x0], $0xffff;
	[tilespmem:s9+$0xFFFFFFD0] =	vst v15  }
0x1a1: {  	v51 =	vadd.s32 s6, v7;
	v44 =	vmul.f32 $1.000000000e+01, v17;
	[tilespmem:s25+$0x1040] =	vst v40;
	v13 =	vld.idx.msk [tilespmem:v36+s22+$0x0], $0xffff  }
0x1a2: {  	v45 =	vadd.s32 s19, v6;
	[tilespmem:s23+$0x1070] =	vst v47;
	v14 =	vld.idx.msk [tilespmem:v37+s22+$0x0], $0xffff;
	v47 =	vmul.f32 $1.000000000e+01, v20  }
0x1a3: {  	v48 =	vadd.s32 s20, v6;
	v10 =	vld.idx.msk [tilespmem:v39+s22+$0x0], $0xffff;
	v17 =	vmul.f32 $1.000000000e+01, v46;
	[tilespmem:s15+$0xFFFFFFE0] =	vst v44  }
0x1a4: {  	v49 =	vadd.s32 s12, v6;
	v16 =	vld.idx.msk [tilespmem:v41+s22+$0x0], $0xffff;
	v8 =	vmul.f32 $1.000000000e+01, v8;
	[tilespmem:s17+$0x1050] =	vst v47  }
0x1a5: {  	v50 =	vadd.s32 s18, v6;
	[tilespmem:s29+$0x1060] =	vst v17;
	v15 =	vmul.f32 $1.000000000e+01, v42;
	v18 =	vld.idx.msk [tilespmem:v43+s22+$0x0], $0xffff  }
0x1a6: {  	v20 =	vld.idx.msk [tilespmem:v51+s22+$0x0], $0xffff;
	[tilespmem:s24+$0x1050] =	vst v8;
	v8 =	vadd.s32 s16, v7;
	v13 =	vmul.f32 $1.000000000e+01, v13  }
0x1a7: {  	v52 =	vadd.s32 s10, v7;
	v9 =	vld.idx.msk [tilespmem:v45+s22+$0x0], $0xffff;
	[tilespmem:s21+$0x1050] =	vst v15;
	v14 =	vmul.f32 $1.000000000e+01, v14  }
0x1a8: {  	v53 =	vadd.s32 s11, v7;
	v10 =	vmul.f32 $1.000000000e+01, v10;
	v11 =	vld.idx.msk [tilespmem:v48+s22+$0x0], $0xffff;
	[tilespmem:s9+$0xFFFFFFE0] =	vst v13  }
0x1a9: {  	v16 =	vmul.f32 $1.000000000e+01, v16;
	[tilespmem:s25+$0x1050] =	vst v14;
	v12 =	vld.idx.msk [tilespmem:v49+s22+$0x0], $0xffff  }
0x1aa: {  	[tilespmem:s28+$0x1060] =	vst v10;
	v55 =	vld.idx.msk [tilespmem:v50+s22+$0x0], $0xffff;
	v18 =	vmul.f32 $1.000000000e+01, v18  }
0x1ab: {  	v54 =	vadd.s32 s19, v7;
	[tilespmem:s15+$0xFFFFFFF0] =	vst v16;
	v60 =	vmul.f32 $1.000000000e+01, v20;
	v8 =	vld.idx.msk [tilespmem:v8+s22+$0x0], $0xffff  }
0x1ac: {  	v56 =	vadd.s32 s20, v7;
	v15 =	vld.idx.msk [tilespmem:v52+s22+$0x0], $0xffff;
	v9 =	vmul.f32 $1.000000000e+01, v9;
	[tilespmem:s17+$0x1060] =	vst v18  }
0x1ad: {  	v57 =	vadd.s32 s12, v7;
	[tilespmem:s29+$0x1070] =	vst v60;
	v11 =	vmul.f32 $1.000000000e+01, v11;
	v13 =	vld.idx.msk [tilespmem:v53+s22+$0x0], $0xffff  }
0x1ae: {  	v58 =	vadd.s32 s18, v7;
	[tilespmem:s24+$0x1060] =	vst v9;
	v12 =	vmul.f32 $1.000000000e+01, v12  }
0x1af: {  	[tilespmem:s21+$0x1060] =	vst v11;
	v59 =	vmul.f32 $1.000000000e+01, v55  }
0x1b0: {  	v9 =	vld.idx.msk [tilespmem:v54+s22+$0x0], $0xffff;
	v8 =	vmul.f32 $1.000000000e+01, v8;
	[tilespmem:s9+$0xFFFFFFF0] =	vst v12  }
0x1b1: {  	v62 =	vmul.f32 $1.000000000e+01, v15;
	v61 =	vld.idx.msk [tilespmem:v56+s22+$0x0], $0xffff;
	[tilespmem:s25+$0x1060] =	vst v59  }
0x1b2: {  	[tilespmem:s28+$0x1070] =	vst v8;
	v10 =	vld.idx.msk [tilespmem:v57+s22+$0x0], $0xffff;
	v8 =	vmul.f32 $1.000000000e+01, v13  }
0x1b3: {  	[tilespmem:s15+$0x0] =	vst v62;
	v14 =	vld.idx.msk [tilespmem:v58+s22+$0x0], $0xffff  }
0x1b4: {  	[tilespmem:s17+$0x1070] =	vst v8  }
0x1b5: {  	v9 =	vmul.f32 $1.000000000e+01, v9;
	s0 =	rddreg [dreg:$0x6]  }
0x1b6: {  	v8 =	vmul.f32 $1.000000000e+01, v61;
	s1 =	rddreg [dreg:$0x10]  }
0x1b7: {  	[tilespmem:s24+$0x1070] =	vst v9;
	s0 =	sadd.s32 s0, s1;
	v63 =	vmul.f32 $1.000000000e+01, v10  }
0x1b8: {  	[tilespmem:s21+$0x1070] =	vst v8;
	s1 =	sshll.u32 s0, $0x9;
	s0 =	sshll.u32 s0, $0x7;
	v8 =	vmul.f32 $1.000000000e+01, v14  }
0x1b9: {  	s1 =	sand.u32 $0xFFF0000, s1;
	s0 =	sand.u32 $0x3F80, s0;
	[tilespmem:s9+$0x0] =	vst v63  }
0x1ba: {  	s3 =	simm.s32 $0xB500;
	s22 =	rddreg [dreg:$0x2];
	s0 =	sor.u32 s0, s1;
	[tilespmem:s25+$0x1070] =	vst v8  }
0x1bb: {  	s23 =	simm.s32 $0x0;
	s1 =	sadd.s32 s22, s0;
	s31 =	rddreg [dreg:$0xd]  }
0x1bc: {  	[hbm4b:s1+s23] =	stream.linear.scatter [tilespmem:s3], [sflag:$0x4], $0x400, $0x38;
	[tilespmem:$0xC500] =	vst v63  }
0x1bd: {  	s24 =	rddreg [dreg:$0x8];
	s2 =	sadd.s32 $0x1, s31  }
0x1be: {  	s25 =	simm.s32 $0xB900;
	s1 =	sadd.s32 s0, s24;
	p0 =	sne.s32 s2, $0x64  }
0x1bf: {  	[hbm4b:s1+s23] =	stream.linear.scatter [tilespmem:s25], [sflag:$0x4], $0x400, $0x38;
	[tilespmem:$0xC500] =	vst v63  }
.Ltmp4:
0x1c0: {  	s26 =	rddreg [dreg:$0x9];
	(pc) =	sbr.rel @p0 .LBB2_2-.Ltmp4, $4  }
0x1c1: {  	s28 =	simm.s32 $0xBD00;
	s29 =	rddreg [dreg:$0xa];
	s1 =	sadd.s32 s0, s26  }
0x1c2: {  	[hbm4b:s1+s23] =	stream.linear.scatter [tilespmem:s28], [sflag:$0x4], $0x400, $0x38;
	[tilespmem:$0xC500] =	vst v63  }
0x1c3: {  	s30 =	simm.s32 $0xC100;
	s13 =	simm.s32 $0x8400;
	s0 =	sadd.s32 s0, s29  }
0x1c4: {  	[hbm4b:s0+s23] =	stream.linear.scatter [tilespmem:s30], [sflag:$0x4], $0x400, $0x38;
	[tilespmem:$0xC500] =	vst v63  }
0x1c5: {  	s0 =	simm.s32 $0x3  }
0x1c6: {  	_ =	swait.ge [sflag:s0], $0x400  }
0x1c7: {  	[sflag:s0] =	ssyncset.done $0x0  }
0x1c8: {  	[sflag:s0] =	ssyncadd.s32 $0xFFFFFC00  }
0x1c9: {  	_ =	swait.ge [sflag:s0], $0x400  }
0x1ca: {  	[sflag:s0] =	ssyncset.done $0x0  }
0x1cb: {  	[sflag:s0] =	ssyncadd.s32 $0xFFFFFC00  }
0x1cc: {  	_ =	swait.ge [sflag:s0], $0x400  }
0x1cd: {  	[sflag:s0] =	ssyncset.done $0x0  }
0x1ce: {  	[sflag:s0] =	ssyncadd.s32 $0xFFFFFC00  }
0x1cf: {  	_ =	swait.ge [sflag:s0], $0x400  }
0x1d0: {  	[sflag:s0] =	ssyncset.done $0x0  }
0x1d1: {  	s1 =	simm.s32 $0x4;
	[sflag:s0] =	ssyncadd.s32 $0xFFFFFC00  }
0x1d2: {  	_ =	swait.ge [sflag:s1], $0x400  }
0x1d3: {  	[sflag:s1] =	ssyncset.done $0x0  }
0x1d4: {  	[sflag:s1] =	ssyncadd.s32 $0xFFFFFC00  }
0x1d5: {  	_ =	swait.ge [sflag:s1], $0x400  }
0x1d6: {  	[sflag:s1] =	ssyncset.done $0x0  }
0x1d7: {  	[sflag:s1] =	ssyncadd.s32 $0xFFFFFC00  }
0x1d8: {  	_ =	swait.ge [sflag:s1], $0x400  }
0x1d9: {  	[sflag:s1] =	ssyncset.done $0x0  }
0x1da: {  	[sflag:s1] =	ssyncadd.s32 $0xFFFFFC00  }
0x1db: {  	_ =	swait.ge [sflag:s1], $0x400  }
0x1dc: {  	s2 =	rddreg [dreg:$0xc]  }
0x1dd: {  	s31 =	rddreg [dreg:$0xb];
	s2 =	sadd.s32 $0x1, s2  }
0x1de: {  	p0 =	sne.s32 s2, s31  }
.Ltmp5:
0x1df: {  	_ = 	snop;
	(pc) =	sbr.rel @p0 .LBB2_1-.Ltmp5, $3  }
0x1e0: {  	_ =	sdelay $0x1  }
0x1e1: {  	[sflag:s1] =	ssyncset.done $0x0  }
0x1e2: {  	[sflag:s1] =	ssyncadd.s32 $0xFFFFFC00  }
0x1e3: {  	_ =	sfence.sel $0x180000  }
0x1e4: {  	[bflag:$0x0] =	sbarrier.arrive $0xFFFF  }
0x1e5: {  	_ =	strace $0x90000047  }
0x1e6: {  	s0 =	stileid.u32;
	[bflag:$0x2] =	sbarrier.arrive $0xFFFF  }
0x1e7: {  	p0 =	sne.s32 s0, $0x0;
	s0 =	rddreg [dreg:$0x3]  }
0x1e8: {  	s0 =	sadd.s32 @!p0 $0x100000, s0  }
0x1e9: {  	[sflag:s0] =	ssyncadd.tile.s32 @!p0 $0x1;
	_ =	shalt  }
.Lfunc_end2:
_tile_overlayer_lowered:
.L_overlay_start_2:
0x1ea: {  	(tag) =	ssettag $0x2  }
0x1eb: {  	s0 =	rddreg [dreg:$0x0];
	s2 =	stileid.u32  }
0x1ec: {  	s1 =	rddreg [dreg:$0x1];
	p0 =	sne.s32 s2, $0x0  }
0x1ed: {  	s3 =	rddreg [dreg:$0x2];
	[bflag:$0x3] =	sbarrier.arrive $0xFFFF;
	s2 =	simm.s32 @!p0 $0x1C05  }
0x1ee: {  	[timem:s3], [sflag:s2] =	dma.local @!p0 [hbm:s0], s1  }
0x1ef: {  	s0 =	simm.s32 @!p0 $0x5  }
0x1f0: {  	_ =	swait.ge @!p0 [sflag:s0], s1  }
0x1f1: {  	s1 =	ssub.s32 @!p0 $0x0, s1;
	[sflag:s0] =	ssyncset.done @!p0 $0x0  }
0x1f2: {  	[sflag:s0] =	ssyncadd.s32 @!p0 s1  }
0x1f3: {  	[bflag:$0x3] =	sbarrier.arrive $0xFFFF  }
0x1f4: {  	_ =	shalt  }

</sc_bundles>
